<compile_context>
chip_gen: v7x
topology: tpu7x:2x2x1
jax: 0.10.2.dev20260603
libtpu: 0.0.44.dev20260713+nightly
codegen_flags: <defaults>
</compile_context>

<pallas_src>
import dataclasses
import functools

import jax
import jax.numpy as jnp
from jax import lax
from jax.experimental import pallas as pl
from jax.experimental.pallas import tpu as pltpu
from jax.experimental.pallas import tpu_sc as plsc

N = 10000
D = 128
DH = D // 2
N_PAD = 10240
NW = 32
CH = 128
NBUF = 4
KCH = 1
NDR = N_PAD // D
ROWS_PER_TILE = N_PAD // 16

_mesh = plsc.VectorSubcoreMesh(core_axis_name="c", subcore_axis_name="s")

_sc_params = pltpu.CompilerParams()
if "needs_layout_passes" in pltpu.CompilerParams.__dataclass_fields__:
  _sc_params = dataclasses.replace(_sc_params, needs_layout_passes=False)
if "use_tc_tiling_on_sc" in pltpu.CompilerParams.__dataclass_fields__:
  _sc_params = dataclasses.replace(_sc_params, use_tc_tiling_on_sc=False)


def _make_sc_deg(n_chunks):
  scratch = [
      pltpu.VMEM((n_chunks, CH), jnp.int32),
      pltpu.VMEM((NDR, D), jnp.float32),
      pltpu.VMEM((1, NDR), jnp.int32),
      pltpu.VMEM_SHARED((NDR, D), jnp.float32),
  ]

  def body(dstr_hbm, deg_hbm, dst_v, deg_v, ridx_v, deg_sh):
    cid = lax.axis_index("c")
    sid = lax.axis_index("s")
    wid = cid * 16 + sid

    zero16 = jnp.zeros((16,), jnp.float32)

    @pl.loop(0, NDR)
    def _(r):
      @pl.loop(0, D, step=16)
      def _(c):
        deg_v[r, pl.ds(c, 16)] = zero16

    @pl.when(sid == 0)
    def _():
      pltpu.sync_copy(deg_v, deg_sh)
    iota16 = lax.iota(jnp.int32, 16)
    for j in range(NDR // 16):
      ridx_v[0, pl.ds(j * 16, 16)] = iota16 + j * 16

    plsc.subcore_barrier()

    pltpu.sync_copy(dstr_hbm.at[wid], dst_v)
    ones16 = jnp.ones((16,), jnp.float32)

    @pl.loop(0, n_chunks)
    def _(i):
      for j in range(CH // 16):
        idx = dst_v[i, pl.ds(j * 16, 16)]
        plsc.addupdate_scatter(
            deg_v,
            [lax.shift_right_logical(idx, 7), lax.bitwise_and(idx, 127)],
            ones16)

    pltpu.sync_copy(deg_v, deg_sh.at[ridx_v.at[0]], add=True)
    plsc.subcore_barrier()

    @pl.when(sid == 0)
    def _():
      pltpu.sync_copy(deg_sh, deg_hbm.at[pl.ds(cid * NDR, NDR)])

  return pl.kernel(
      body,
      out_type=jax.ShapeDtypeStruct((2 * NDR, D), jnp.float32),
      mesh=_mesh, scratch_types=scratch, compiler_params=_sc_params)


def _make_sc_agg(n_chunks):
  ng = 2 * n_chunks // KCH
  assert ng % NBUF == 0
  gw = KCH * CH
  scratch = [
      pltpu.VMEM((ng, gw), jnp.int32),
      pltpu.VMEM((ng, gw), jnp.int32),
  ]
  scratch += [pltpu.VMEM((gw, DH), jnp.float32) for _ in range(NBUF)]
  scratch += [
      pltpu.VMEM_SHARED((N_PAD, DH), jnp.float32),
  ]
  scratch += [pltpu.SemaphoreType.DMA for _ in range(2 * NBUF)]

  def body(h_hbm, srcr_hbm, dstr_hbm, acc_hbm, src_v, dst_v, *rest):
    bufs = rest[:NBUF]
    acc_sh = rest[NBUF]
    gsems = rest[NBUF + 1:NBUF + 1 + NBUF]
    ssems = rest[NBUF + 1 + NBUF:]
    cid = lax.axis_index("c")
    sid = lax.axis_index("s")

    zero16 = jnp.zeros((16,), jnp.float32)
    base = sid * ROWS_PER_TILE

    @pl.loop(0, gw)
    def _(r):
      @pl.loop(0, DH, step=16)
      def _(c):
        bufs[0][r, pl.ds(c, 16)] = zero16

    @pl.loop(0, ROWS_PER_TILE // gw)
    def _(k):
      pltpu.sync_copy(bufs[0], acc_sh.at[pl.ds(base + k * gw, gw)])

    plsc.subcore_barrier()

    nhalf = ng // 2

    @pl.loop(0, 2)
    def _(p):
      pltpu.sync_copy(srcr_hbm.at[cid, 2 * sid + p],
                      src_v.at[pl.ds(p * nhalf, nhalf)])
      pltpu.sync_copy(dstr_hbm.at[2 * sid + p],
                      dst_v.at[pl.ds(p * nhalf, nhalf)])

    def g_start(i, k):
      pltpu.async_copy(h_hbm.at[src_v.at[i]], bufs[k], gsems[k])

    def g_wait(i, k):
      pltpu.make_async_copy(h_hbm.at[src_v.at[i]], bufs[k], gsems[k]).wait()

    def s_start(i, k):
      pltpu.async_copy(bufs[k], acc_sh.at[dst_v.at[i]], ssems[k], add=True)

    def s_wait(i, k):
      pltpu.make_async_copy(bufs[k], acc_sh.at[dst_v.at[i]], ssems[k]).wait()

    @pl.loop(0, ng, step=NBUF)
    def _(i):
      for k in range(NBUF):
        @pl.when(i >= NBUF)
        def _():
          s_wait(i - NBUF + k, k)
        g_start(i + k, k)
      for k in range(NBUF):
        g_wait(i + k, k)
        s_start(i + k, k)

    for k in range(NBUF):
      s_wait(ng - NBUF + k, k)

    plsc.subcore_barrier()

    pltpu.sync_copy(acc_sh.at[pl.ds(base, ROWS_PER_TILE)],
                    acc_hbm.at[pl.ds(cid * N_PAD + base, ROWS_PER_TILE)])

  return pl.kernel(
      body,
      out_type=jax.ShapeDtypeStruct((2 * N_PAD, DH), jnp.float32),
      mesh=_mesh, scratch_types=scratch, compiler_params=_sc_params)


_DOT = functools.partial(
    lax.dot_general,
    dimension_numbers=(((1,), (0,)), ((), ())),
    preferred_element_type=jnp.float32)


def _k_in_body(x_ref, w_ref, b_ref, o_ref):
  t = jnp.tanh(_DOT(x_ref[...], w_ref[...]) + b_ref[...])
  o_ref[0] = t[:, :DH]
  o_ref[1] = t[:, DH:]


def _layer_math(h_ref, acc_ref, d0_ref, d1_ref, ws_ref, b_ref, wn_ref):
  deg = jnp.maximum(d0_ref[...] + d1_ref[...], 1.0)
  ws = ws_ref[...]
  wn = wn_ref[...]
  t = _DOT(h_ref[0], ws[:DH]) + _DOT(h_ref[1], ws[DH:])
  t += _DOT(acc_ref[0] / deg, wn[:DH]) + _DOT(acc_ref[1] / deg, wn[DH:])
  return jnp.maximum(t + b_ref[...], 0.0)


def _k_layer_body(h_ref, acc_ref, d0_ref, d1_ref, ws_ref, b_ref, wn_ref,
                  o_ref):
  r = _layer_math(h_ref, acc_ref, d0_ref, d1_ref, ws_ref, b_ref, wn_ref)
  o_ref[0] = r[:, :DH]
  o_ref[1] = r[:, DH:]


def _k_last_body(h_ref, acc_ref, deg3_ref, ws_ref, b_ref, wn_ref, o_ref):
  deg = jnp.maximum(deg3_ref[0] + deg3_ref[1], 1.0)
  ws = ws_ref[...]
  wn = wn_ref[...]
  t = _DOT(h_ref[0], ws[:DH]) + _DOT(h_ref[1], ws[DH:])
  t += _DOT(acc_ref[0] / deg, wn[:DH]) + _DOT(acc_ref[1] / deg, wn[DH:])
  o_ref[...] = jnp.maximum(t + b_ref[...], 0.0)


_BLK = 1024
_GRID = N_PAD // _BLK
_row_spec = pl.BlockSpec((_BLK, D), lambda i: (i, 0))
_split_spec = pl.BlockSpec((2, _BLK, DH), lambda i: (0, i, 0))
_w_spec = pl.BlockSpec((D, D), lambda i: (0, 0))
_b_spec = pl.BlockSpec((1, D), lambda i: (0, 0))
_split_sds = jax.ShapeDtypeStruct((2, N_PAD, DH), jnp.float32)

_k_in = pl.pallas_call(
    _k_in_body,
    grid=(_GRID,),
    in_specs=[_row_spec, _w_spec, _b_spec],
    out_specs=_split_spec,
    out_shape=_split_sds)

_layer_in_specs = [
    _split_spec,
    _split_spec,
    pl.BlockSpec((_BLK, 1), lambda i: (i, 0)),
    pl.BlockSpec((_BLK, 1), lambda i: (i + _GRID, 0)),
    _w_spec, _b_spec, _w_spec,
]

_k_layer = pl.pallas_call(
    _k_layer_body,
    grid=(_GRID,),
    in_specs=_layer_in_specs,
    out_specs=_split_spec,
    out_shape=_split_sds)

_LBLK = 1000
_k_last = pl.pallas_call(
    _k_last_body,
    grid=(N // _LBLK,),
    in_specs=[
        pl.BlockSpec((2, _LBLK, DH), lambda i: (0, i, 0)),
        pl.BlockSpec((2, _LBLK, DH), lambda i: (0, i, 0)),
        pl.BlockSpec((2, _LBLK, 1), lambda i: (0, i, 0)),
        _w_spec, _b_spec, _w_spec,
    ],
    out_specs=pl.BlockSpec((_LBLK, D), lambda i: (i, 0)),
    out_shape=jax.ShapeDtypeStruct((N, D), jnp.float32))


def kernel(x, edge_index, W_in, b_in, W_self1, b_self1, W_neigh1,
           W_self2, b_self2, W_neigh2):
  E = edge_index.shape[1]
  n_chunks = -(-E // (NW * CH))
  if n_chunks % 2:
    n_chunks += 1
  e_pad = NW * CH * n_chunks - E

  xp = jnp.zeros((N_PAD, D), jnp.float32).at[:N].set(x)
  src = edge_index[0]
  dst = edge_index[1]
  if e_pad:
    ar = jnp.arange(e_pad, dtype=jnp.int32)
    src = jnp.concatenate([src, ar % N])
    dst = jnp.concatenate([dst, N + ar % (N_PAD - N)])
  srcr = src.reshape(NW, n_chunks // KCH, KCH * CH)
  dstr = dst.reshape(NW, n_chunks // KCH, KCH * CH)
  srcr2 = jnp.stack([srcr, srcr + N_PAD])
  srcr2, dstr = lax.optimization_barrier((srcr2, dstr))

  sc_deg = _make_sc_deg(n_chunks)
  sc_agg = _make_sc_agg(n_chunks)

  b_in2 = b_in.reshape(1, D)
  b1 = b_self1.reshape(1, D)
  b2 = b_self2.reshape(1, D)

  deg = sc_deg(dstr.reshape(NW, n_chunks, CH))
  degf = deg.reshape(2 * N_PAD, 1)
  h0 = _k_in(xp, W_in, b_in2)
  acc1 = sc_agg(h0.reshape(2 * N_PAD, DH), srcr2, dstr)
  h1 = _k_layer(h0, acc1.reshape(2, N_PAD, DH), degf, degf, W_self1, b1,
                W_neigh1)
  acc2 = sc_agg(h1.reshape(2 * N_PAD, DH), srcr2, dstr)
  return _k_last(h1, acc2.reshape(2, N_PAD, DH), deg.reshape(2, N_PAD, 1),
                 W_self2, b2, W_neigh2)

# --- scband reference (transcript-rebuilt; emitter-appended) ---
"""Pipeline reference for scband-message-passing-57097295233646 (READ-ONLY COPY).

The authoritative reference and input builder live on the scoring server;
editing this copy changes nothing except your own understanding.
"""

import jax, jax.numpy as jnp
import numpy as np

N = 10000
E = 320000
D = 128


def setup_inputs(seed: int = 0) -> dict:
    key = jax.random.key(seed)
    ks = jax.random.split(key, 10)
    scale = 1.0 / np.sqrt(D)
    x = jax.random.normal(ks[0], (N, D), dtype=jnp.float32)
    edge_index = jax.random.randint(ks[1], (2, E), 0, N, dtype=jnp.int32)
    W_in = jax.random.normal(ks[2], (D, D), dtype=jnp.float32) * scale
    b_in = jnp.zeros((D,), dtype=jnp.float32)
    W_self1 = jax.random.normal(ks[3], (D, D), dtype=jnp.float32) * scale
    b_self1 = jnp.zeros((D,), dtype=jnp.float32)
    W_neigh1 = jax.random.normal(ks[4], (D, D), dtype=jnp.float32) * scale
    W_self2 = jax.random.normal(ks[5], (D, D), dtype=jnp.float32) * scale
    b_self2 = jnp.zeros((D,), dtype=jnp.float32)
    W_neigh2 = jax.random.normal(ks[6], (D, D), dtype=jnp.float32) * scale
    return {
        "x": x,
        "edge_index": edge_index,
        "W_in": W_in,
        "b_in": b_in,
        "W_self1": W_self1,
        "b_self1": b_self1,
        "W_neigh1": W_neigh1,
        "W_self2": W_self2,
        "b_self2": b_self2,
        "W_neigh2": W_neigh2,
    }


def _sage_mean(h, src, dst, W_self, b_self, W_neigh):
    # DGL SAGEConv(aggregator='mean'):
    #   h_neigh = fc_neigh(mean_{u in N(v)} h_u)   (fc_neigh has no bias)
    #   rst     = fc_self(h_v) + h_neigh           (fc_self carries the bias)
    msg = jnp.take(h, src, axis=0)
    agg = jax.ops.segment_sum(msg, dst, num_segments=N)
    deg = jax.ops.segment_sum(jnp.ones((src.shape[0], 1), jnp.float32), dst, num_segments=N)
    mean = agg / jnp.maximum(deg, 1.0)
    return (h @ W_self + b_self) + (mean @ W_neigh)


def reference(x, edge_index, W_in, b_in, W_self1, b_self1, W_neigh1, W_self2, b_self2, W_neigh2):
    # f_in: Linear(feature_units, input_units) + Tanh
    h = jnp.tanh(x @ W_in + b_in)
    src = edge_index[0]
    dst = edge_index[1]
    # _Sequential with config [128, 'relu', 128, 'relu'] -> SAGEConv, relu, SAGEConv, relu
    h = jax.nn.relu(_sage_mean(h, src, dst, W_self1, b_self1, W_neigh1))
    h = jax.nn.relu(_sage_mean(h, src, dst, W_self2, b_self2, W_neigh2))
    return h

if __name__ == "__main__":
    import jax
    _d = setup_inputs()
    print(jax.jit(kernel)(*tuple(_d.values())))

</pallas_src>

<mosaic_0001>
#map = affine_map<(d0, d1) -> (0, 0)>
#map1 = affine_map<(d0, d1) -> (0, 0, 0, 0)>
#map2 = affine_map<(d0, d1) -> (0, 0, 0)>
module attributes {stable_mosaic.version = 14 : i64} {
  func.func @body(%arg0: i32, %arg1: i32, %arg2: memref<20480x64xf32, #tpu.memory_space<hbm>>, %arg3: memref<2x32x80x128xi32, #tpu.memory_space<hbm>>, %arg4: memref<32x80x128xi32, #tpu.memory_space<hbm>>, %arg5: memref<20480x64xf32, #tpu.memory_space<hbm>>, %arg6: memref<160x128xi32, #tpu.memory_space<vmem>>, %arg7: memref<160x128xi32, #tpu.memory_space<vmem>>, %arg8: memref<128x64xf32, #tpu.memory_space<vmem>>, %arg9: memref<128x64xf32, #tpu.memory_space<vmem>>, %arg10: memref<128x64xf32, #tpu.memory_space<vmem>>, %arg11: memref<128x64xf32, #tpu.memory_space<vmem>>, %arg12: memref<10240x64xf32, #tpu.memory_space<vmem_shared>>, %arg13: memref<!tpu.dma_semaphore, #tpu.memory_space<semaphore_mem>>, %arg14: memref<!tpu.dma_semaphore, #tpu.memory_space<semaphore_mem>>, %arg15: memref<!tpu.dma_semaphore, #tpu.memory_space<semaphore_mem>>, %arg16: memref<!tpu.dma_semaphore, #tpu.memory_space<semaphore_mem>>, %arg17: memref<!tpu.dma_semaphore, #tpu.memory_space<semaphore_mem>>, %arg18: memref<!tpu.dma_semaphore, #tpu.memory_space<semaphore_mem>>, %arg19: memref<!tpu.dma_semaphore, #tpu.memory_space<semaphore_mem>>, %arg20: memref<!tpu.dma_semaphore, #tpu.memory_space<semaphore_mem>>) attributes {dimension_semantics = [#tpu.dimension_semantics<core_parallel>, #tpu.dimension_semantics<subcore_parallel>], iteration_bounds = array<i64: 2, 16>, scalar_prefetch = 0 : i64, scratch_operands = 15 : i64, tpu.core_type = #tpu.core_type<sc_vector_subcore>, window_params = [{transform_indices = #map}, {transform_indices = #map1}, {transform_indices = #map2}, {transform_indices = #map}]} {
    %broadcast_in_dim3A = arith.constant 0.000000e+00 : f32
    %broadcast_in_dim3A_0 = vector.broadcast %broadcast_in_dim3A : f32 to vector<16xf32>
    %mul3A = arith.constant 640 : i32
    %mul3A_1 = arith.muli %arg1, %mul3A : i32
    %scan3A = arith.constant 0 : i32
    %scan3A_2 = arith.constant 128 : i32
    %scan3A_3 = arith.addi %scan3A, %scan3A_2 : i32
    %scan3A_4 = arith.constant 1 : i32
    scf.for %scan3A_51 = %scan3A to %scan3A_3 step %scan3A_4  : i32 {
      %mul3A_52 = arith.constant 1 : i32
      %mul3A_53 = arith.muli %scan3A_51, %mul3A_52 : i32
      %add3A_54 = arith.constant 0 : i32
      %add3A_55 = arith.addi %add3A_54, %mul3A_53 : i32
      %scan3A_56 = arith.constant 0 : i32
      %scan3A_57 = arith.constant 4 : i32
      %scan3A_58 = arith.addi %scan3A_56, %scan3A_57 : i32
      %scan3A_59 = arith.constant 1 : i32
      scf.for %scan3A_61 = %scan3A_56 to %scan3A_58 step %scan3A_59  : i32 {
        %mul3A_62 = arith.constant 16 : i32
        %mul3A_63 = arith.muli %scan3A_61, %mul3A_62 : i32
        %add3A_64 = arith.constant 0 : i32
        %add3A_65 = arith.addi %add3A_64, %mul3A_63 : i32
        %swap3A = arith.index_cast %add3A_55 : i32 to index
        %swap3A_66 = arith.index_cast %add3A_65 : i32 to index
        %swap3A_67 = tpu.vector_load %arg8[%swap3A, %swap3A_66] {strides = array<i32>} : memref<128x64xf32, #tpu.memory_space<vmem>>, vector<16xf32>,
        tpu.vector_store %arg8[%swap3A, %swap3A_66], %broadcast_in_dim3A_0 {strides = array<i32>} : memref<128x64xf32, #tpu.memory_space<vmem>>, vector<16xf32>,
      }
      %scan3A_60 = arith.constant 4 : i32
    }
    %scan3A_5 = arith.constant 128 : i32
    %scan3A_6 = arith.constant 0 : i32
    %scan3A_7 = arith.constant 5 : i32
    %scan3A_8 = arith.addi %scan3A_6, %scan3A_7 : i32
    %scan3A_9 = arith.constant 1 : i32
    scf.for %scan3A_51 = %scan3A_6 to %scan3A_8 step %scan3A_9  : i32 {
      %mul3A_52 = arith.constant 1 : i32
      %mul3A_53 = arith.muli %scan3A_51, %mul3A_52 : i32
      %add3A_54 = arith.constant 0 : i32
      %add3A_55 = arith.addi %add3A_54, %mul3A_53 : i32
      %mul3A_56 = arith.constant 128 : i32
      %mul3A_57 = arith.muli %add3A_55, %mul3A_56 : i32
      %add3A_58 = arith.addi %mul3A_1, %mul3A_57 : i32
      "tpu.region"() ({
        %run_scoped3A = tpu.sem_alloc : memref<!tpu.dma_semaphore, #tpu.memory_space<semaphore_mem>>
        %dma_start3A = arith.constant 0 : i32
        %dma_start3A_59 = tpu.memref_slice %arg12[%add3A_58, %dma_start3A] : memref<10240x64xf32, #tpu.memory_space<vmem_shared>> -> memref<128x64xf32, #tpu.memory_space<vmem_shared>>
        %dma_start3A_60 = arith.constant 0 : i32
        %dma_start3A_61 = tpu.memref_slice %arg12[%add3A_58, %dma_start3A_60] : memref<10240x64xf32, #tpu.memory_space<vmem_shared>> -> memref<128x64xf32, #tpu.memory_space<vmem_shared>>
        tpu.enqueue_dma source(%arg8 : memref<128x64xf32, #tpu.memory_space<vmem>>) target(%dma_start3A_61 : memref<128x64xf32, #tpu.memory_space<vmem_shared>>) target_semaphore(%run_scoped3A : memref<!tpu.dma_semaphore, #tpu.memory_space<semaphore_mem>>)
        %dma_wait3A_62 = arith.constant 0 : i32
        %dma_wait3A_63 = tpu.memref_slice %arg12[%add3A_58, %dma_wait3A_62] : memref<10240x64xf32, #tpu.memory_space<vmem_shared>> -> memref<128x64xf32, #tpu.memory_space<vmem_shared>>
        %dma_wait3A_64 = arith.constant 0 : i32
        %dma_wait3A_65 = tpu.memref_slice %arg12[%add3A_58, %dma_wait3A_64] : memref<10240x64xf32, #tpu.memory_space<vmem_shared>> -> memref<128x64xf32, #tpu.memory_space<vmem_shared>>
        tpu.wait_dma2 semaphore(%run_scoped3A : memref<!tpu.dma_semaphore, #tpu.memory_space<semaphore_mem>>) src(%arg8 : memref<128x64xf32, #tpu.memory_space<vmem>>) dst(%dma_wait3A_65 : memref<128x64xf32, #tpu.memory_space<vmem_shared>>)
        tpu.yield
      }) : () -> ()
    }
    %scan3A_10 = arith.constant 5 : i32
    %barrier3A = arith.constant 0 : index
    tpu.barrier barrier_id(%barrier3A)
    %scan3A_11 = arith.constant 0 : i32
    %scan3A_12 = arith.constant 2 : i32
    %scan3A_13 = arith.addi %scan3A_11, %scan3A_12 : i32
    %scan3A_14 = arith.constant 1 : i32
    scf.for %scan3A_51 = %scan3A_11 to %scan3A_13 step %scan3A_14  : i32 {
      %mul3A_52 = arith.constant 1 : i32
      %mul3A_53 = arith.muli %scan3A_51, %mul3A_52 : i32
      %add3A_54 = arith.constant 0 : i32
      %add3A_55 = arith.addi %add3A_54, %mul3A_53 : i32
      %mul3A_56 = arith.constant 2 : i32
      %mul3A_57 = arith.muli %mul3A_56, %arg1 : i32
      %add3A_58 = arith.addi %mul3A_57, %add3A_55 : i32
      %mul3A_59 = arith.constant 80 : i32
      %mul3A_60 = arith.muli %add3A_55, %mul3A_59 : i32
      "tpu.region"() ({
        %run_scoped3A = tpu.sem_alloc : memref<!tpu.dma_semaphore, #tpu.memory_space<semaphore_mem>>
        %dma_start3A = arith.constant 0 : i32
        %dma_start3A_66 = tpu.memref_slice %arg6[%mul3A_60, %dma_start3A] : memref<160x128xi32, #tpu.memory_space<vmem>> -> memref<80x128xi32, #tpu.memory_space<vmem>>
        %dma_start3A_67 = arith.constant 0 : i32
        %dma_start3A_68 = arith.constant 0 : i32
        %dma_start3A_69 = tpu.memref_slice %arg3[%arg0, %add3A_58, %dma_start3A_67, %dma_start3A_68] : memref<2x32x80x128xi32, #tpu.memory_space<hbm>> -> memref<1x1x80x128xi32, #tpu.memory_space<hbm>>
        %dma_start3A_70 = tpu.memref_squeeze %dma_start3A_69 : memref<1x1x80x128xi32, #tpu.memory_space<hbm>> -> memref<80x128xi32, #tpu.memory_space<hbm>>
        %dma_start3A_71 = arith.constant 0 : i32
        %dma_start3A_72 = tpu.memref_slice %arg6[%mul3A_60, %dma_start3A_71] : memref<160x128xi32, #tpu.memory_space<vmem>> -> memref<80x128xi32, #tpu.memory_space<vmem>>
        %dma_start3A_73 = arith.constant 0 : i32
        %dma_start3A_74 = arith.constant 0 : i32
        %dma_start3A_75 = tpu.memref_slice %arg3[%arg0, %add3A_58, %dma_start3A_73, %dma_start3A_74] : memref<2x32x80x128xi32, #tpu.memory_space<hbm>> -> memref<1x1x80x128xi32, #tpu.memory_space<hbm>>
        %dma_start3A_76 = tpu.memref_squeeze %dma_start3A_75 : memref<1x1x80x128xi32, #tpu.memory_space<hbm>> -> memref<80x128xi32, #tpu.memory_space<hbm>>
        tpu.enqueue_dma source(%dma_start3A_76 : memref<80x128xi32, #tpu.memory_space<hbm>>) target(%dma_start3A_72 : memref<80x128xi32, #tpu.memory_space<vmem>>) target_semaphore(%run_scoped3A : memref<!tpu.dma_semaphore, #tpu.memory_space<semaphore_mem>>)
        %dma_wait3A_77 = arith.constant 0 : i32
        %dma_wait3A_78 = tpu.memref_slice %arg6[%mul3A_60, %dma_wait3A_77] : memref<160x128xi32, #tpu.memory_space<vmem>> -> memref<80x128xi32, #tpu.memory_space<vmem>>
        %dma_wait3A_79 = arith.constant 0 : i32
        %dma_wait3A_80 = arith.constant 0 : i32
        %dma_wait3A_81 = tpu.memref_slice %arg3[%arg0, %add3A_58, %dma_wait3A_79, %dma_wait3A_80] : memref<2x32x80x128xi32, #tpu.memory_space<hbm>> -> memref<1x1x80x128xi32, #tpu.memory_space<hbm>>
        %dma_wait3A_82 = tpu.memref_squeeze %dma_wait3A_81 : memref<1x1x80x128xi32, #tpu.memory_space<hbm>> -> memref<80x128xi32, #tpu.memory_space<hbm>>
        %dma_wait3A_83 = arith.constant 0 : i32
        %dma_wait3A_84 = tpu.memref_slice %arg6[%mul3A_60, %dma_wait3A_83] : memref<160x128xi32, #tpu.memory_space<vmem>> -> memref<80x128xi32, #tpu.memory_space<vmem>>
        %dma_wait3A_85 = arith.constant 0 : i32
        %dma_wait3A_86 = arith.constant 0 : i32
        %dma_wait3A_87 = tpu.memref_slice %arg3[%arg0, %add3A_58, %dma_wait3A_85, %dma_wait3A_86] : memref<2x32x80x128xi32, #tpu.memory_space<hbm>> -> memref<1x1x80x128xi32, #tpu.memory_space<hbm>>
        %dma_wait3A_88 = tpu.memref_squeeze %dma_wait3A_87 : memref<1x1x80x128xi32, #tpu.memory_space<hbm>> -> memref<80x128xi32, #tpu.memory_space<hbm>>
        tpu.wait_dma2 semaphore(%run_scoped3A : memref<!tpu.dma_semaphore, #tpu.memory_space<semaphore_mem>>) src(%dma_wait3A_88 : memref<80x128xi32, #tpu.memory_space<hbm>>) dst(%dma_wait3A_84 : memref<80x128xi32, #tpu.memory_space<vmem>>)
        tpu.yield
      }) : () -> ()
      %mul3A_61 = arith.constant 2 : i32
      %mul3A_62 = arith.muli %mul3A_61, %arg1 : i32
      %add3A_63 = arith.addi %mul3A_62, %add3A_55 : i32
      %mul3A_64 = arith.constant 80 : i32
      %mul3A_65 = arith.muli %add3A_55, %mul3A_64 : i32
      "tpu.region"() ({
        %run_scoped3A = tpu.sem_alloc : memref<!tpu.dma_semaphore, #tpu.memory_space<semaphore_mem>>
        %dma_start3A = arith.constant 0 : i32
        %dma_start3A_66 = tpu.memref_slice %arg7[%mul3A_65, %dma_start3A] : memref<160x128xi32, #tpu.memory_space<vmem>> -> memref<80x128xi32, #tpu.memory_space<vmem>>
        %dma_start3A_67 = arith.constant 0 : i32
        %dma_start3A_68 = arith.constant 0 : i32
        %dma_start3A_69 = tpu.memref_slice %arg4[%add3A_63, %dma_start3A_67, %dma_start3A_68] : memref<32x80x128xi32, #tpu.memory_space<hbm>> -> memref<1x80x128xi32, #tpu.memory_space<hbm>>
        %dma_start3A_70 = tpu.memref_squeeze %dma_start3A_69 : memref<1x80x128xi32, #tpu.memory_space<hbm>> -> memref<80x128xi32, #tpu.memory_space<hbm>>
        %dma_start3A_71 = arith.constant 0 : i32
        %dma_start3A_72 = tpu.memref_slice %arg7[%mul3A_65, %dma_start3A_71] : memref<160x128xi32, #tpu.memory_space<vmem>> -> memref<80x128xi32, #tpu.memory_space<vmem>>
        %dma_start3A_73 = arith.constant 0 : i32
        %dma_start3A_74 = arith.constant 0 : i32
        %dma_start3A_75 = tpu.memref_slice %arg4[%add3A_63, %dma_start3A_73, %dma_start3A_74] : memref<32x80x128xi32, #tpu.memory_space<hbm>> -> memref<1x80x128xi32, #tpu.memory_space<hbm>>
        %dma_start3A_76 = tpu.memref_squeeze %dma_start3A_75 : memref<1x80x128xi32, #tpu.memory_space<hbm>> -> memref<80x128xi32, #tpu.memory_space<hbm>>
        tpu.enqueue_dma source(%dma_start3A_76 : memref<80x128xi32, #tpu.memory_space<hbm>>) target(%dma_start3A_72 : memref<80x128xi32, #tpu.memory_space<vmem>>) target_semaphore(%run_scoped3A : memref<!tpu.dma_semaphore, #tpu.memory_space<semaphore_mem>>)
        %dma_wait3A_77 = arith.constant 0 : i32
        %dma_wait3A_78 = tpu.memref_slice %arg7[%mul3A_65, %dma_wait3A_77] : memref<160x128xi32, #tpu.memory_space<vmem>> -> memref<80x128xi32, #tpu.memory_space<vmem>>
        %dma_wait3A_79 = arith.constant 0 : i32
        %dma_wait3A_80 = arith.constant 0 : i32
        %dma_wait3A_81 = tpu.memref_slice %arg4[%add3A_63, %dma_wait3A_79, %dma_wait3A_80] : memref<32x80x128xi32, #tpu.memory_space<hbm>> -> memref<1x80x128xi32, #tpu.memory_space<hbm>>
        %dma_wait3A_82 = tpu.memref_squeeze %dma_wait3A_81 : memref<1x80x128xi32, #tpu.memory_space<hbm>> -> memref<80x128xi32, #tpu.memory_space<hbm>>
        %dma_wait3A_83 = arith.constant 0 : i32
        %dma_wait3A_84 = tpu.memref_slice %arg7[%mul3A_65, %dma_wait3A_83] : memref<160x128xi32, #tpu.memory_space<vmem>> -> memref<80x128xi32, #tpu.memory_space<vmem>>
        %dma_wait3A_85 = arith.constant 0 : i32
        %dma_wait3A_86 = arith.constant 0 : i32
        %dma_wait3A_87 = tpu.memref_slice %arg4[%add3A_63, %dma_wait3A_85, %dma_wait3A_86] : memref<32x80x128xi32, #tpu.memory_space<hbm>> -> memref<1x80x128xi32, #tpu.memory_space<hbm>>
        %dma_wait3A_88 = tpu.memref_squeeze %dma_wait3A_87 : memref<1x80x128xi32, #tpu.memory_space<hbm>> -> memref<80x128xi32, #tpu.memory_space<hbm>>
        tpu.wait_dma2 semaphore(%run_scoped3A : memref<!tpu.dma_semaphore, #tpu.memory_space<semaphore_mem>>) src(%dma_wait3A_88 : memref<80x128xi32, #tpu.memory_space<hbm>>) dst(%dma_wait3A_84 : memref<80x128xi32, #tpu.memory_space<vmem>>)
        tpu.yield
      }) : () -> ()
    }
    %scan3A_15 = arith.constant 2 : i32
    %scan3A_16 = arith.constant 0 : i32
    %scan3A_17 = arith.constant 40 : i32
    %scan3A_18 = arith.addi %scan3A_16, %scan3A_17 : i32
    %scan3A_19 = arith.constant 1 : i32
    scf.for %scan3A_51 = %scan3A_16 to %scan3A_18 step %scan3A_19  : i32 {
      %mul3A_52 = arith.constant 4 : i32
      %mul3A_53 = arith.muli %scan3A_51, %mul3A_52 : i32
      %add3A_54 = arith.constant 0 : i32
      %add3A_55 = arith.addi %add3A_54, %mul3A_53 : i32
      %ge3A = arith.constant 4 : i32
      %ge3A_56 = arith.cmpi sge, %add3A_55, %ge3A : i32
      %convert_element_type3A = arith.extui %ge3A_56 : i1 to i32
      %cond3A = arith.constant 0 : i32
      %cond3A_57 = arith.cmpi ne, %convert_element_type3A, %cond3A : i32
      scf.if %cond3A_57 {
        %sub3A = arith.constant 4 : i32
        %sub3A_168 = arith.subi %add3A_55, %sub3A : i32
        %add3A_169 = arith.constant 0 : i32
        %add3A_170 = arith.addi %sub3A_168, %add3A_169 : i32
        %dma_wait3A_171 = arith.constant 0 : i32
        %dma_wait3A_172 = tpu.memref_slice %arg7[%add3A_170, %dma_wait3A_171] : memref<160x128xi32, #tpu.memory_space<vmem>> -> memref<1x128xi32, #tpu.memory_space<vmem>>
        %dma_wait3A_173 = tpu.memref_squeeze %dma_wait3A_172 : memref<1x128xi32, #tpu.memory_space<vmem>> -> memref<128xi32, #tpu.memory_space<vmem>>
        %dma_wait3A_174 = arith.constant 0 : i32
        %dma_wait3A_175 = arith.constant 0 : i32
        %dma_wait3A_176 = tpu.memref_slice %arg12[%dma_wait3A_174, %dma_wait3A_175] : memref<10240x64xf32, #tpu.memory_space<vmem_shared>> -> memref<10240x64xf32, #tpu.memory_space<vmem_shared>>
        tpu.wait_indirect_dma semaphore(%arg17 : memref<!tpu.dma_semaphore, #tpu.memory_space<semaphore_mem>>) src(%arg8 : memref<128x64xf32, #tpu.memory_space<vmem>>) dst(%dma_wait3A_176 : memref<10240x64xf32, #tpu.memory_space<vmem_shared>>)
      } else {
      }
      %add3A_58 = arith.constant 0 : i32
      %add3A_59 = arith.addi %add3A_55, %add3A_58 : i32
      %dma_start3A = arith.constant 0 : i32
      %dma_start3A_60 = tpu.memref_slice %arg6[%add3A_59, %dma_start3A] : memref<160x128xi32, #tpu.memory_space<vmem>> -> memref<1x128xi32, #tpu.memory_space<vmem>>
      %dma_start3A_61 = tpu.memref_squeeze %dma_start3A_60 : memref<1x128xi32, #tpu.memory_space<vmem>> -> memref<128xi32, #tpu.memory_space<vmem>>
      %dma_start3A_62 = arith.constant 0 : i32
      %dma_start3A_63 = arith.constant 0 : i32
      %dma_start3A_64 = tpu.memref_slice %arg2[%dma_start3A_62, %dma_start3A_63] : memref<20480x64xf32, #tpu.memory_space<hbm>> -> memref<20480x64xf32, #tpu.memory_space<hbm>>
      tpu.enqueue_indirect_dma source(%dma_start3A_64 : memref<20480x64xf32, #tpu.memory_space<hbm>>) target(%arg8 : memref<128x64xf32, #tpu.memory_space<vmem>>) offsets(%dma_start3A_61 : memref<128xi32, #tpu.memory_space<vmem>>) semaphore(%arg13 : memref<!tpu.dma_semaphore, #tpu.memory_space<semaphore_mem>>)
      %ge3A_65 = arith.constant 4 : i32
      %ge3A_66 = arith.cmpi sge, %add3A_55, %ge3A_65 : i32
      %convert_element_type3A_67 = arith.extui %ge3A_66 : i1 to i32
      %cond3A_68 = arith.constant 0 : i32
      %cond3A_69 = arith.cmpi ne, %convert_element_type3A_67, %cond3A_68 : i32
      scf.if %cond3A_69 {
        %sub3A = arith.constant 4 : i32
        %sub3A_168 = arith.subi %add3A_55, %sub3A : i32
        %add3A_169 = arith.constant 1 : i32
        %add3A_170 = arith.addi %sub3A_168, %add3A_169 : i32
        %dma_wait3A_171 = arith.constant 0 : i32
        %dma_wait3A_172 = tpu.memref_slice %arg7[%add3A_170, %dma_wait3A_171] : memref<160x128xi32, #tpu.memory_space<vmem>> -> memref<1x128xi32, #tpu.memory_space<vmem>>
        %dma_wait3A_173 = tpu.memref_squeeze %dma_wait3A_172 : memref<1x128xi32, #tpu.memory_space<vmem>> -> memref<128xi32, #tpu.memory_space<vmem>>
        %dma_wait3A_174 = arith.constant 0 : i32
        %dma_wait3A_175 = arith.constant 0 : i32
        %dma_wait3A_176 = tpu.memref_slice %arg12[%dma_wait3A_174, %dma_wait3A_175] : memref<10240x64xf32, #tpu.memory_space<vmem_shared>> -> memref<10240x64xf32, #tpu.memory_space<vmem_shared>>
        tpu.wait_indirect_dma semaphore(%arg18 : memref<!tpu.dma_semaphore, #tpu.memory_space<semaphore_mem>>) src(%arg9 : memref<128x64xf32, #tpu.memory_space<vmem>>) dst(%dma_wait3A_176 : memref<10240x64xf32, #tpu.memory_space<vmem_shared>>)
      } else {
      }
      %add3A_70 = arith.constant 1 : i32
      %add3A_71 = arith.addi %add3A_55, %add3A_70 : i32
      %dma_start3A_72 = arith.constant 0 : i32
      %dma_start3A_73 = tpu.memref_slice %arg6[%add3A_71, %dma_start3A_72] : memref<160x128xi32, #tpu.memory_space<vmem>> -> memref<1x128xi32, #tpu.memory_space<vmem>>
      %dma_start3A_74 = tpu.memref_squeeze %dma_start3A_73 : memref<1x128xi32, #tpu.memory_space<vmem>> -> memref<128xi32, #tpu.memory_space<vmem>>
      %dma_start3A_75 = arith.constant 0 : i32
      %dma_start3A_76 = arith.constant 0 : i32
      %dma_start3A_77 = tpu.memref_slice %arg2[%dma_start3A_75, %dma_start3A_76] : memref<20480x64xf32, #tpu.memory_space<hbm>> -> memref<20480x64xf32, #tpu.memory_space<hbm>>
      tpu.enqueue_indirect_dma source(%dma_start3A_77 : memref<20480x64xf32, #tpu.memory_space<hbm>>) target(%arg9 : memref<128x64xf32, #tpu.memory_space<vmem>>) offsets(%dma_start3A_74 : memref<128xi32, #tpu.memory_space<vmem>>) semaphore(%arg14 : memref<!tpu.dma_semaphore, #tpu.memory_space<semaphore_mem>>)
      %ge3A_78 = arith.constant 4 : i32
      %ge3A_79 = arith.cmpi sge, %add3A_55, %ge3A_78 : i32
      %convert_element_type3A_80 = arith.extui %ge3A_79 : i1 to i32
      %cond3A_81 = arith.constant 0 : i32
      %cond3A_82 = arith.cmpi ne, %convert_element_type3A_80, %cond3A_81 : i32
      scf.if %cond3A_82 {
        %sub3A = arith.constant 4 : i32
        %sub3A_168 = arith.subi %add3A_55, %sub3A : i32
        %add3A_169 = arith.constant 2 : i32
        %add3A_170 = arith.addi %sub3A_168, %add3A_169 : i32
        %dma_wait3A_171 = arith.constant 0 : i32
        %dma_wait3A_172 = tpu.memref_slice %arg7[%add3A_170, %dma_wait3A_171] : memref<160x128xi32, #tpu.memory_space<vmem>> -> memref<1x128xi32, #tpu.memory_space<vmem>>
        %dma_wait3A_173 = tpu.memref_squeeze %dma_wait3A_172 : memref<1x128xi32, #tpu.memory_space<vmem>> -> memref<128xi32, #tpu.memory_space<vmem>>
        %dma_wait3A_174 = arith.constant 0 : i32
        %dma_wait3A_175 = arith.constant 0 : i32
        %dma_wait3A_176 = tpu.memref_slice %arg12[%dma_wait3A_174, %dma_wait3A_175] : memref<10240x64xf32, #tpu.memory_space<vmem_shared>> -> memref<10240x64xf32, #tpu.memory_space<vmem_shared>>
        tpu.wait_indirect_dma semaphore(%arg19 : memref<!tpu.dma_semaphore, #tpu.memory_space<semaphore_mem>>) src(%arg10 : memref<128x64xf32, #tpu.memory_space<vmem>>) dst(%dma_wait3A_176 : memref<10240x64xf32, #tpu.memory_space<vmem_shared>>)
      } else {
      }
      %add3A_83 = arith.constant 2 : i32
      %add3A_84 = arith.addi %add3A_55, %add3A_83 : i32
      %dma_start3A_85 = arith.constant 0 : i32
      %dma_start3A_86 = tpu.memref_slice %arg6[%add3A_84, %dma_start3A_85] : memref<160x128xi32, #tpu.memory_space<vmem>> -> memref<1x128xi32, #tpu.memory_space<vmem>>
      %dma_start3A_87 = tpu.memref_squeeze %dma_start3A_86 : memref<1x128xi32, #tpu.memory_space<vmem>> -> memref<128xi32, #tpu.memory_space<vmem>>
      %dma_start3A_88 = arith.constant 0 : i32
      %dma_start3A_89 = arith.constant 0 : i32
      %dma_start3A_90 = tpu.memref_slice %arg2[%dma_start3A_88, %dma_start3A_89] : memref<20480x64xf32, #tpu.memory_space<hbm>> -> memref<20480x64xf32, #tpu.memory_space<hbm>>
      tpu.enqueue_indirect_dma source(%dma_start3A_90 : memref<20480x64xf32, #tpu.memory_space<hbm>>) target(%arg10 : memref<128x64xf32, #tpu.memory_space<vmem>>) offsets(%dma_start3A_87 : memref<128xi32, #tpu.memory_space<vmem>>) semaphore(%arg15 : memref<!tpu.dma_semaphore, #tpu.memory_space<semaphore_mem>>)
      %ge3A_91 = arith.constant 4 : i32
      %ge3A_92 = arith.cmpi sge, %add3A_55, %ge3A_91 : i32
      %convert_element_type3A_93 = arith.extui %ge3A_92 : i1 to i32
      %cond3A_94 = arith.constant 0 : i32
      %cond3A_95 = arith.cmpi ne, %convert_element_type3A_93, %cond3A_94 : i32
      scf.if %cond3A_95 {
        %sub3A = arith.constant 4 : i32
        %sub3A_168 = arith.subi %add3A_55, %sub3A : i32
        %add3A_169 = arith.constant 3 : i32
        %add3A_170 = arith.addi %sub3A_168, %add3A_169 : i32
        %dma_wait3A_171 = arith.constant 0 : i32
        %dma_wait3A_172 = tpu.memref_slice %arg7[%add3A_170, %dma_wait3A_171] : memref<160x128xi32, #tpu.memory_space<vmem>> -> memref<1x128xi32, #tpu.memory_space<vmem>>
        %dma_wait3A_173 = tpu.memref_squeeze %dma_wait3A_172 : memref<1x128xi32, #tpu.memory_space<vmem>> -> memref<128xi32, #tpu.memory_space<vmem>>
        %dma_wait3A_174 = arith.constant 0 : i32
        %dma_wait3A_175 = arith.constant 0 : i32
        %dma_wait3A_176 = tpu.memref_slice %arg12[%dma_wait3A_174, %dma_wait3A_175] : memref<10240x64xf32, #tpu.memory_space<vmem_shared>> -> memref<10240x64xf32, #tpu.memory_space<vmem_shared>>
        tpu.wait_indirect_dma semaphore(%arg20 : memref<!tpu.dma_semaphore, #tpu.memory_space<semaphore_mem>>) src(%arg11 : memref<128x64xf32, #tpu.memory_space<vmem>>) dst(%dma_wait3A_176 : memref<10240x64xf32, #tpu.memory_space<vmem_shared>>)
      } else {
      }
      %add3A_96 = arith.constant 3 : i32
      %add3A_97 = arith.addi %add3A_55, %add3A_96 : i32
      %dma_start3A_98 = arith.constant 0 : i32
      %dma_start3A_99 = tpu.memref_slice %arg6[%add3A_97, %dma_start3A_98] : memref<160x128xi32, #tpu.memory_space<vmem>> -> memref<1x128xi32, #tpu.memory_space<vmem>>
      %dma_start3A_100 = tpu.memref_squeeze %dma_start3A_99 : memref<1x128xi32, #tpu.memory_space<vmem>> -> memref<128xi32, #tpu.memory_space<vmem>>
      %dma_start3A_101 = arith.constant 0 : i32
      %dma_start3A_102 = arith.constant 0 : i32
      %dma_start3A_103 = tpu.memref_slice %arg2[%dma_start3A_101, %dma_start3A_102] : memref<20480x64xf32, #tpu.memory_space<hbm>> -> memref<20480x64xf32, #tpu.memory_space<hbm>>
      tpu.enqueue_indirect_dma source(%dma_start3A_103 : memref<20480x64xf32, #tpu.memory_space<hbm>>) target(%arg11 : memref<128x64xf32, #tpu.memory_space<vmem>>) offsets(%dma_start3A_100 : memref<128xi32, #tpu.memory_space<vmem>>) semaphore(%arg16 : memref<!tpu.dma_semaphore, #tpu.memory_space<semaphore_mem>>)
      %add3A_104 = arith.constant 0 : i32
      %add3A_105 = arith.addi %add3A_55, %add3A_104 : i32
      %dma_wait3A_106 = arith.constant 0 : i32
      %dma_wait3A_107 = tpu.memref_slice %arg6[%add3A_105, %dma_wait3A_106] : memref<160x128xi32, #tpu.memory_space<vmem>> -> memref<1x128xi32, #tpu.memory_space<vmem>>
      %dma_wait3A_108 = tpu.memref_squeeze %dma_wait3A_107 : memref<1x128xi32, #tpu.memory_space<vmem>> -> memref<128xi32, #tpu.memory_space<vmem>>
      %dma_wait3A_109 = arith.constant 0 : i32
      %dma_wait3A_110 = arith.constant 0 : i32
      %dma_wait3A_111 = tpu.memref_slice %arg2[%dma_wait3A_109, %dma_wait3A_110] : memref<20480x64xf32, #tpu.memory_space<hbm>> -> memref<20480x64xf32, #tpu.memory_space<hbm>>
      tpu.wait_indirect_dma semaphore(%arg13 : memref<!tpu.dma_semaphore, #tpu.memory_space<semaphore_mem>>) src(%dma_wait3A_111 : memref<20480x64xf32, #tpu.memory_space<hbm>>) dst(%arg8 : memref<128x64xf32, #tpu.memory_space<vmem>>)
      %add3A_112 = arith.constant 0 : i32
      %add3A_113 = arith.addi %add3A_55, %add3A_112 : i32
      %dma_start3A_114 = arith.constant 0 : i32
      %dma_start3A_115 = tpu.memref_slice %arg7[%add3A_113, %dma_start3A_114] : memref<160x128xi32, #tpu.memory_space<vmem>> -> memref<1x128xi32, #tpu.memory_space<vmem>>
      %dma_start3A_116 = tpu.memref_squeeze %dma_start3A_115 : memref<1x128xi32, #tpu.memory_space<vmem>> -> memref<128xi32, #tpu.memory_space<vmem>>
      %dma_start3A_117 = arith.constant 0 : i32
      %dma_start3A_118 = arith.constant 0 : i32
      %dma_start3A_119 = tpu.memref_slice %arg12[%dma_start3A_117, %dma_start3A_118] : memref<10240x64xf32, #tpu.memory_space<vmem_shared>> -> memref<10240x64xf32, #tpu.memory_space<vmem_shared>>
      tpu.enqueue_indirect_dma source(%arg8 : memref<128x64xf32, #tpu.memory_space<vmem>>) target(%dma_start3A_119 : memref<10240x64xf32, #tpu.memory_space<vmem_shared>>) offsets(%dma_start3A_116 : memref<128xi32, #tpu.memory_space<vmem>>) semaphore(%arg17 : memref<!tpu.dma_semaphore, #tpu.memory_space<semaphore_mem>>) {add = true}
      %add3A_120 = arith.constant 1 : i32
      %add3A_121 = arith.addi %add3A_55, %add3A_120 : i32
      %dma_wait3A_122 = arith.constant 0 : i32
      %dma_wait3A_123 = tpu.memref_slice %arg6[%add3A_121, %dma_wait3A_122] : memref<160x128xi32, #tpu.memory_space<vmem>> -> memref<1x128xi32, #tpu.memory_space<vmem>>
      %dma_wait3A_124 = tpu.memref_squeeze %dma_wait3A_123 : memref<1x128xi32, #tpu.memory_space<vmem>> -> memref<128xi32, #tpu.memory_space<vmem>>
      %dma_wait3A_125 = arith.constant 0 : i32
      %dma_wait3A_126 = arith.constant 0 : i32
      %dma_wait3A_127 = tpu.memref_slice %arg2[%dma_wait3A_125, %dma_wait3A_126] : memref<20480x64xf32, #tpu.memory_space<hbm>> -> memref<20480x64xf32, #tpu.memory_space<hbm>>
      tpu.wait_indirect_dma semaphore(%arg14 : memref<!tpu.dma_semaphore, #tpu.memory_space<semaphore_mem>>) src(%dma_wait3A_127 : memref<20480x64xf32, #tpu.memory_space<hbm>>) dst(%arg9 : memref<128x64xf32, #tpu.memory_space<vmem>>)
      %add3A_128 = arith.constant 1 : i32
      %add3A_129 = arith.addi %add3A_55, %add3A_128 : i32
      %dma_start3A_130 = arith.constant 0 : i32
      %dma_start3A_131 = tpu.memref_slice %arg7[%add3A_129, %dma_start3A_130] : memref<160x128xi32, #tpu.memory_space<vmem>> -> memref<1x128xi32, #tpu.memory_space<vmem>>
      %dma_start3A_132 = tpu.memref_squeeze %dma_start3A_131 : memref<1x128xi32, #tpu.memory_space<vmem>> -> memref<128xi32, #tpu.memory_space<vmem>>
      %dma_start3A_133 = arith.constant 0 : i32
      %dma_start3A_134 = arith.constant 0 : i32
      %dma_start3A_135 = tpu.memref_slice %arg12[%dma_start3A_133, %dma_start3A_134] : memref<10240x64xf32, #tpu.memory_space<vmem_shared>> -> memref<10240x64xf32, #tpu.memory_space<vmem_shared>>
      tpu.enqueue_indirect_dma source(%arg9 : memref<128x64xf32, #tpu.memory_space<vmem>>) target(%dma_start3A_135 : memref<10240x64xf32, #tpu.memory_space<vmem_shared>>) offsets(%dma_start3A_132 : memref<128xi32, #tpu.memory_space<vmem>>) semaphore(%arg18 : memref<!tpu.dma_semaphore, #tpu.memory_space<semaphore_mem>>) {add = true}
      %add3A_136 = arith.constant 2 : i32
      %add3A_137 = arith.addi %add3A_55, %add3A_136 : i32
      %dma_wait3A_138 = arith.constant 0 : i32
      %dma_wait3A_139 = tpu.memref_slice %arg6[%add3A_137, %dma_wait3A_138] : memref<160x128xi32, #tpu.memory_space<vmem>> -> memref<1x128xi32, #tpu.memory_space<vmem>>
      %dma_wait3A_140 = tpu.memref_squeeze %dma_wait3A_139 : memref<1x128xi32, #tpu.memory_space<vmem>> -> memref<128xi32, #tpu.memory_space<vmem>>
      %dma_wait3A_141 = arith.constant 0 : i32
      %dma_wait3A_142 = arith.constant 0 : i32
      %dma_wait3A_143 = tpu.memref_slice %arg2[%dma_wait3A_141, %dma_wait3A_142] : memref<20480x64xf32, #tpu.memory_space<hbm>> -> memref<20480x64xf32, #tpu.memory_space<hbm>>
      tpu.wait_indirect_dma semaphore(%arg15 : memref<!tpu.dma_semaphore, #tpu.memory_space<semaphore_mem>>) src(%dma_wait3A_143 : memref<20480x64xf32, #tpu.memory_space<hbm>>) dst(%arg10 : memref<128x64xf32, #tpu.memory_space<vmem>>)
      %add3A_144 = arith.constant 2 : i32
      %add3A_145 = arith.addi %add3A_55, %add3A_144 : i32
      %dma_start3A_146 = arith.constant 0 : i32
      %dma_start3A_147 = tpu.memref_slice %arg7[%add3A_145, %dma_start3A_146] : memref<160x128xi32, #tpu.memory_space<vmem>> -> memref<1x128xi32, #tpu.memory_space<vmem>>
      %dma_start3A_148 = tpu.memref_squeeze %dma_start3A_147 : memref<1x128xi32, #tpu.memory_space<vmem>> -> memref<128xi32, #tpu.memory_space<vmem>>
      %dma_start3A_149 = arith.constant 0 : i32
      %dma_start3A_150 = arith.constant 0 : i32
      %dma_start3A_151 = tpu.memref_slice %arg12[%dma_start3A_149, %dma_start3A_150] : memref<10240x64xf32, #tpu.memory_space<vmem_shared>> -> memref<10240x64xf32, #tpu.memory_space<vmem_shared>>
      tpu.enqueue_indirect_dma source(%arg10 : memref<128x64xf32, #tpu.memory_space<vmem>>) target(%dma_start3A_151 : memref<10240x64xf32, #tpu.memory_space<vmem_shared>>) offsets(%dma_start3A_148 : memref<128xi32, #tpu.memory_space<vmem>>) semaphore(%arg19 : memref<!tpu.dma_semaphore, #tpu.memory_space<semaphore_mem>>) {add = true}
      %add3A_152 = arith.constant 3 : i32
      %add3A_153 = arith.addi %add3A_55, %add3A_152 : i32
      %dma_wait3A_154 = arith.constant 0 : i32
      %dma_wait3A_155 = tpu.memref_slice %arg6[%add3A_153, %dma_wait3A_154] : memref<160x128xi32, #tpu.memory_space<vmem>> -> memref<1x128xi32, #tpu.memory_space<vmem>>
      %dma_wait3A_156 = tpu.memref_squeeze %dma_wait3A_155 : memref<1x128xi32, #tpu.memory_space<vmem>> -> memref<128xi32, #tpu.memory_space<vmem>>
      %dma_wait3A_157 = arith.constant 0 : i32
      %dma_wait3A_158 = arith.constant 0 : i32
      %dma_wait3A_159 = tpu.memref_slice %arg2[%dma_wait3A_157, %dma_wait3A_158] : memref<20480x64xf32, #tpu.memory_space<hbm>> -> memref<20480x64xf32, #tpu.memory_space<hbm>>
      tpu.wait_indirect_dma semaphore(%arg16 : memref<!tpu.dma_semaphore, #tpu.memory_space<semaphore_mem>>) src(%dma_wait3A_159 : memref<20480x64xf32, #tpu.memory_space<hbm>>) dst(%arg11 : memref<128x64xf32, #tpu.memory_space<vmem>>)
      %add3A_160 = arith.constant 3 : i32
      %add3A_161 = arith.addi %add3A_55, %add3A_160 : i32
      %dma_start3A_162 = arith.constant 0 : i32
      %dma_start3A_163 = tpu.memref_slice %arg7[%add3A_161, %dma_start3A_162] : memref<160x128xi32, #tpu.memory_space<vmem>> -> memref<1x128xi32, #tpu.memory_space<vmem>>
      %dma_start3A_164 = tpu.memref_squeeze %dma_start3A_163 : memref<1x128xi32, #tpu.memory_space<vmem>> -> memref<128xi32, #tpu.memory_space<vmem>>
      %dma_start3A_165 = arith.constant 0 : i32
      %dma_start3A_166 = arith.constant 0 : i32
      %dma_start3A_167 = tpu.memref_slice %arg12[%dma_start3A_165, %dma_start3A_166] : memref<10240x64xf32, #tpu.memory_space<vmem_shared>> -> memref<10240x64xf32, #tpu.memory_space<vmem_shared>>
      tpu.enqueue_indirect_dma source(%arg11 : memref<128x64xf32, #tpu.memory_space<vmem>>) target(%dma_start3A_167 : memref<10240x64xf32, #tpu.memory_space<vmem_shared>>) offsets(%dma_start3A_164 : memref<128xi32, #tpu.memory_space<vmem>>) semaphore(%arg20 : memref<!tpu.dma_semaphore, #tpu.memory_space<semaphore_mem>>) {add = true}
    }
    %scan3A_20 = arith.constant 40 : i32
    %dma_wait3A = arith.constant 156 : i32
    %dma_wait3A_21 = arith.constant 0 : i32
    %dma_wait3A_22 = tpu.memref_slice %arg7[%dma_wait3A, %dma_wait3A_21] : memref<160x128xi32, #tpu.memory_space<vmem>> -> memref<1x128xi32, #tpu.memory_space<vmem>>
    %dma_wait3A_23 = tpu.memref_squeeze %dma_wait3A_22 : memref<1x128xi32, #tpu.memory_space<vmem>> -> memref<128xi32, #tpu.memory_space<vmem>>
    %dma_wait3A_24 = arith.constant 0 : i32
    %dma_wait3A_25 = arith.constant 0 : i32
    %dma_wait3A_26 = tpu.memref_slice %arg12[%dma_wait3A_24, %dma_wait3A_25] : memref<10240x64xf32, #tpu.memory_space<vmem_shared>> -> memref<10240x64xf32, #tpu.memory_space<vmem_shared>>
    tpu.wait_indirect_dma semaphore(%arg17 : memref<!tpu.dma_semaphore, #tpu.memory_space<semaphore_mem>>) src(%arg8 : memref<128x64xf32, #tpu.memory_space<vmem>>) dst(%dma_wait3A_26 : memref<10240x64xf32, #tpu.memory_space<vmem_shared>>)
    %dma_wait3A_27 = arith.constant 157 : i32
    %dma_wait3A_28 = arith.constant 0 : i32
    %dma_wait3A_29 = tpu.memref_slice %arg7[%dma_wait3A_27, %dma_wait3A_28] : memref<160x128xi32, #tpu.memory_space<vmem>> -> memref<1x128xi32, #tpu.memory_space<vmem>>
    %dma_wait3A_30 = tpu.memref_squeeze %dma_wait3A_29 : memref<1x128xi32, #tpu.memory_space<vmem>> -> memref<128xi32, #tpu.memory_space<vmem>>
    %dma_wait3A_31 = arith.constant 0 : i32
    %dma_wait3A_32 = arith.constant 0 : i32
    %dma_wait3A_33 = tpu.memref_slice %arg12[%dma_wait3A_31, %dma_wait3A_32] : memref<10240x64xf32, #tpu.memory_space<vmem_shared>> -> memref<10240x64xf32, #tpu.memory_space<vmem_shared>>
    tpu.wait_indirect_dma semaphore(%arg18 : memref<!tpu.dma_semaphore, #tpu.memory_space<semaphore_mem>>) src(%arg9 : memref<128x64xf32, #tpu.memory_space<vmem>>) dst(%dma_wait3A_33 : memref<10240x64xf32, #tpu.memory_space<vmem_shared>>)
    %dma_wait3A_34 = arith.constant 158 : i32
    %dma_wait3A_35 = arith.constant 0 : i32
    %dma_wait3A_36 = tpu.memref_slice %arg7[%dma_wait3A_34, %dma_wait3A_35] : memref<160x128xi32, #tpu.memory_space<vmem>> -> memref<1x128xi32, #tpu.memory_space<vmem>>
    %dma_wait3A_37 = tpu.memref_squeeze %dma_wait3A_36 : memref<1x128xi32, #tpu.memory_space<vmem>> -> memref<128xi32, #tpu.memory_space<vmem>>
    %dma_wait3A_38 = arith.constant 0 : i32
    %dma_wait3A_39 = arith.constant 0 : i32
    %dma_wait3A_40 = tpu.memref_slice %arg12[%dma_wait3A_38, %dma_wait3A_39] : memref<10240x64xf32, #tpu.memory_space<vmem_shared>> -> memref<10240x64xf32, #tpu.memory_space<vmem_shared>>
    tpu.wait_indirect_dma semaphore(%arg19 : memref<!tpu.dma_semaphore, #tpu.memory_space<semaphore_mem>>) src(%arg10 : memref<128x64xf32, #tpu.memory_space<vmem>>) dst(%dma_wait3A_40 : memref<10240x64xf32, #tpu.memory_space<vmem_shared>>)
    %dma_wait3A_41 = arith.constant 159 : i32
    %dma_wait3A_42 = arith.constant 0 : i32
    %dma_wait3A_43 = tpu.memref_slice %arg7[%dma_wait3A_41, %dma_wait3A_42] : memref<160x128xi32, #tpu.memory_space<vmem>> -> memref<1x128xi32, #tpu.memory_space<vmem>>
    %dma_wait3A_44 = tpu.memref_squeeze %dma_wait3A_43 : memref<1x128xi32, #tpu.memory_space<vmem>> -> memref<128xi32, #tpu.memory_space<vmem>>
    %dma_wait3A_45 = arith.constant 0 : i32
    %dma_wait3A_46 = arith.constant 0 : i32
    %dma_wait3A_47 = tpu.memref_slice %arg12[%dma_wait3A_45, %dma_wait3A_46] : memref<10240x64xf32, #tpu.memory_space<vmem_shared>> -> memref<10240x64xf32, #tpu.memory_space<vmem_shared>>
    tpu.wait_indirect_dma semaphore(%arg20 : memref<!tpu.dma_semaphore, #tpu.memory_space<semaphore_mem>>) src(%arg11 : memref<128x64xf32, #tpu.memory_space<vmem>>) dst(%dma_wait3A_47 : memref<10240x64xf32, #tpu.memory_space<vmem_shared>>)
    %barrier3A_48 = arith.constant 0 : index
    tpu.barrier barrier_id(%barrier3A_48)
    %mul3A_49 = arith.constant 10240 : i32
    %mul3A_50 = arith.muli %arg0, %mul3A_49 : i32
    %add3A = arith.addi %mul3A_50, %mul3A_1 : i32
    "tpu.region"() ({
      %run_scoped3A = tpu.sem_alloc : memref<!tpu.dma_semaphore, #tpu.memory_space<semaphore_mem>>
      %dma_start3A = arith.constant 0 : i32
      %dma_start3A_51 = tpu.memref_slice %arg5[%add3A, %dma_start3A] : memref<20480x64xf32, #tpu.memory_space<hbm>> -> memref<640x64xf32, #tpu.memory_space<hbm>>
      %dma_start3A_52 = arith.constant 0 : i32
      %dma_start3A_53 = tpu.memref_slice %arg12[%mul3A_1, %dma_start3A_52] : memref<10240x64xf32, #tpu.memory_space<vmem_shared>> -> memref<640x64xf32, #tpu.memory_space<vmem_shared>>
      tpu.enqueue_dma source(%dma_start3A_53 : memref<640x64xf32, #tpu.memory_space<vmem_shared>>) target(%dma_start3A_51 : memref<640x64xf32, #tpu.memory_space<hbm>>) target_semaphore(%run_scoped3A : memref<!tpu.dma_semaphore, #tpu.memory_space<semaphore_mem>>)
      %dma_wait3A_54 = arith.constant 0 : i32
      %dma_wait3A_55 = tpu.memref_slice %arg5[%add3A, %dma_wait3A_54] : memref<20480x64xf32, #tpu.memory_space<hbm>> -> memref<640x64xf32, #tpu.memory_space<hbm>>
      %dma_wait3A_56 = arith.constant 0 : i32
      %dma_wait3A_57 = tpu.memref_slice %arg12[%mul3A_1, %dma_wait3A_56] : memref<10240x64xf32, #tpu.memory_space<vmem_shared>> -> memref<640x64xf32, #tpu.memory_space<vmem_shared>>
      tpu.wait_dma2 semaphore(%run_scoped3A : memref<!tpu.dma_semaphore, #tpu.memory_space<semaphore_mem>>) src(%dma_wait3A_57 : memref<640x64xf32, #tpu.memory_space<vmem_shared>>) dst(%dma_wait3A_55 : memref<640x64xf32, #tpu.memory_space<hbm>>)
      tpu.yield
    }) : () -> ()
    return
  }
}

#map = affine_map<(d0, d1) -> (0, 0, 0)>
#map1 = affine_map<(d0, d1) -> (0, 0)>
module attributes {stable_mosaic.version = 14 : i64} {
  func.func @body(%arg0: i32, %arg1: i32, %arg2: memref<32x80x128xi32, #tpu.memory_space<hbm>>, %arg3: memref<160x128xf32, #tpu.memory_space<hbm>>, %arg4: memref<80x128xi32, #tpu.memory_space<vmem>>, %arg5: memref<80x128xf32, #tpu.memory_space<vmem>>, %arg6: memref<1x80xi32, #tpu.memory_space<vmem>>, %arg7: memref<80x128xf32, #tpu.memory_space<vmem_shared>>) attributes {dimension_semantics = [#tpu.dimension_semantics<core_parallel>, #tpu.dimension_semantics<subcore_parallel>], iteration_bounds = array<i64: 2, 16>, scalar_prefetch = 0 : i64, scratch_operands = 4 : i64, tpu.core_type = #tpu.core_type<sc_vector_subcore>, window_params = [{transform_indices = #map}, {transform_indices = #map1}]} {
    %mul3A = arith.constant 16 : i32
    %mul3A_0 = arith.muli %arg0, %mul3A : i32
    %add3A = arith.addi %mul3A_0, %arg1 : i32
    %broadcast_in_dim3A = arith.constant 0.000000e+00 : f32
    %broadcast_in_dim3A_1 = vector.broadcast %broadcast_in_dim3A : f32 to vector<16xf32>
    %scan3A = arith.constant 0 : i32
    %scan3A_2 = arith.constant 80 : i32
    %scan3A_3 = arith.addi %scan3A, %scan3A_2 : i32
    %scan3A_4 = arith.constant 1 : i32
    scf.for %scan3A_55 = %scan3A to %scan3A_3 step %scan3A_4  : i32 {
      %mul3A_56 = arith.constant 1 : i32
      %mul3A_57 = arith.muli %scan3A_55, %mul3A_56 : i32
      %add3A_58 = arith.constant 0 : i32
      %add3A_59 = arith.addi %add3A_58, %mul3A_57 : i32
      %scan3A_60 = arith.constant 0 : i32
      %scan3A_61 = arith.constant 8 : i32
      %scan3A_62 = arith.addi %scan3A_60, %scan3A_61 : i32
      %scan3A_63 = arith.constant 1 : i32
      scf.for %scan3A_65 = %scan3A_60 to %scan3A_62 step %scan3A_63  : i32 {
        %mul3A_66 = arith.constant 16 : i32
        %mul3A_67 = arith.muli %scan3A_65, %mul3A_66 : i32
        %add3A_68 = arith.constant 0 : i32
        %add3A_69 = arith.addi %add3A_68, %mul3A_67 : i32
        %swap3A_70 = arith.index_cast %add3A_59 : i32 to index
        %swap3A_71 = arith.index_cast %add3A_69 : i32 to index
        %swap3A_72 = tpu.vector_load %arg5[%swap3A_70, %swap3A_71] {strides = array<i32>} : memref<80x128xf32, #tpu.memory_space<vmem>>, vector<16xf32>,
        tpu.vector_store %arg5[%swap3A_70, %swap3A_71], %broadcast_in_dim3A_1 {strides = array<i32>} : memref<80x128xf32, #tpu.memory_space<vmem>>, vector<16xf32>,
      }
      %scan3A_64 = arith.constant 8 : i32
    }
    %scan3A_5 = arith.constant 80 : i32
    %eq3A = arith.constant 0 : i32
    %eq3A_6 = arith.cmpi eq, %arg1, %eq3A : i32
    %convert_element_type3A = arith.extui %eq3A_6 : i1 to i32
    %cond3A = arith.constant 0 : i32
    %cond3A_7 = arith.cmpi ne, %convert_element_type3A, %cond3A : i32
    scf.if %cond3A_7 {
      "tpu.region"() ({
        %run_scoped3A_55 = tpu.sem_alloc : memref<!tpu.dma_semaphore, #tpu.memory_space<semaphore_mem>>
        tpu.enqueue_dma source(%arg5 : memref<80x128xf32, #tpu.memory_space<vmem>>) target(%arg7 : memref<80x128xf32, #tpu.memory_space<vmem_shared>>) target_semaphore(%run_scoped3A_55 : memref<!tpu.dma_semaphore, #tpu.memory_space<semaphore_mem>>)
        tpu.wait_dma2 semaphore(%run_scoped3A_55 : memref<!tpu.dma_semaphore, #tpu.memory_space<semaphore_mem>>) src(%arg5 : memref<80x128xf32, #tpu.memory_space<vmem>>) dst(%arg7 : memref<80x128xf32, #tpu.memory_space<vmem_shared>>)
        tpu.yield
      }) : () -> ()
    } else {
    }
    %iota3A = tpu.iota {dimensions = array<i32: 0>} : vector<16xi32>
    %add3A_8 = arith.constant 0 : i32
    %add3A_9 = vector.broadcast %add3A_8 : i32 to vector<16xi32>
    %add3A_10 = arith.addi %iota3A, %add3A_9 : vector<16xi32>
    %swap3A = arith.constant 0 : i32
    %swap3A_11 = arith.index_cast %swap3A : i32 to index
    %swap3A_12 = arith.constant 0 : index
    %swap3A_13 = tpu.vector_load %arg6[%swap3A_11, %swap3A_12] {strides = array<i32>} : memref<1x80xi32, #tpu.memory_space<vmem>>, vector<16xi32>,
    tpu.vector_store %arg6[%swap3A_11, %swap3A_12], %add3A_10 {strides = array<i32>} : memref<1x80xi32, #tpu.memory_space<vmem>>, vector<16xi32>,
    %add3A_14 = arith.constant 16 : i32
    %add3A_15 = vector.broadcast %add3A_14 : i32 to vector<16xi32>
    %add3A_16 = arith.addi %iota3A, %add3A_15 : vector<16xi32>
    %swap3A_17 = arith.constant 0 : i32
    %swap3A_18 = arith.index_cast %swap3A_17 : i32 to index
    %swap3A_19 = arith.constant 16 : index
    %swap3A_20 = tpu.vector_load %arg6[%swap3A_18, %swap3A_19] {strides = array<i32>} : memref<1x80xi32, #tpu.memory_space<vmem>>, vector<16xi32>,
    tpu.vector_store %arg6[%swap3A_18, %swap3A_19], %add3A_16 {strides = array<i32>} : memref<1x80xi32, #tpu.memory_space<vmem>>, vector<16xi32>,
    %add3A_21 = arith.constant 32 : i32
    %add3A_22 = vector.broadcast %add3A_21 : i32 to vector<16xi32>
    %add3A_23 = arith.addi %iota3A, %add3A_22 : vector<16xi32>
    %swap3A_24 = arith.constant 0 : i32
    %swap3A_25 = arith.index_cast %swap3A_24 : i32 to index
    %swap3A_26 = arith.constant 32 : index
    %swap3A_27 = tpu.vector_load %arg6[%swap3A_25, %swap3A_26] {strides = array<i32>} : memref<1x80xi32, #tpu.memory_space<vmem>>, vector<16xi32>,
    tpu.vector_store %arg6[%swap3A_25, %swap3A_26], %add3A_23 {strides = array<i32>} : memref<1x80xi32, #tpu.memory_space<vmem>>, vector<16xi32>,
    %add3A_28 = arith.constant 48 : i32
    %add3A_29 = vector.broadcast %add3A_28 : i32 to vector<16xi32>
    %add3A_30 = arith.addi %iota3A, %add3A_29 : vector<16xi32>
    %swap3A_31 = arith.constant 0 : i32
    %swap3A_32 = arith.index_cast %swap3A_31 : i32 to index
    %swap3A_33 = arith.constant 48 : index
    %swap3A_34 = tpu.vector_load %arg6[%swap3A_32, %swap3A_33] {strides = array<i32>} : memref<1x80xi32, #tpu.memory_space<vmem>>, vector<16xi32>,
    tpu.vector_store %arg6[%swap3A_32, %swap3A_33], %add3A_30 {strides = array<i32>} : memref<1x80xi32, #tpu.memory_space<vmem>>, vector<16xi32>,
    %add3A_35 = arith.constant 64 : i32
    %add3A_36 = vector.broadcast %add3A_35 : i32 to vector<16xi32>
    %add3A_37 = arith.addi %iota3A, %add3A_36 : vector<16xi32>
    %swap3A_38 = arith.constant 0 : i32
    %swap3A_39 = arith.index_cast %swap3A_38 : i32 to index
    %swap3A_40 = arith.constant 64 : index
    %swap3A_41 = tpu.vector_load %arg6[%swap3A_39, %swap3A_40] {strides = array<i32>} : memref<1x80xi32, #tpu.memory_space<vmem>>, vector<16xi32>,
    tpu.vector_store %arg6[%swap3A_39, %swap3A_40], %add3A_37 {strides = array<i32>} : memref<1x80xi32, #tpu.memory_space<vmem>>, vector<16xi32>,
    %barrier3A = arith.constant 0 : index
    tpu.barrier barrier_id(%barrier3A)
    "tpu.region"() ({
      %run_scoped3A_55 = tpu.sem_alloc : memref<!tpu.dma_semaphore, #tpu.memory_space<semaphore_mem>>
      %dma_start3A = arith.constant 0 : i32
      %dma_start3A_56 = arith.constant 0 : i32
      %dma_start3A_57 = tpu.memref_slice %arg2[%add3A, %dma_start3A, %dma_start3A_56] : memref<32x80x128xi32, #tpu.memory_space<hbm>> -> memref<1x80x128xi32, #tpu.memory_space<hbm>>
      %dma_start3A_58 = tpu.memref_squeeze %dma_start3A_57 : memref<1x80x128xi32, #tpu.memory_space<hbm>> -> memref<80x128xi32, #tpu.memory_space<hbm>>
      %dma_start3A_59 = arith.constant 0 : i32
      %dma_start3A_60 = arith.constant 0 : i32
      %dma_start3A_61 = tpu.memref_slice %arg2[%add3A, %dma_start3A_59, %dma_start3A_60] : memref<32x80x128xi32, #tpu.memory_space<hbm>> -> memref<1x80x128xi32, #tpu.memory_space<hbm>>
      %dma_start3A_62 = tpu.memref_squeeze %dma_start3A_61 : memref<1x80x128xi32, #tpu.memory_space<hbm>> -> memref<80x128xi32, #tpu.memory_space<hbm>>
      tpu.enqueue_dma source(%dma_start3A_62 : memref<80x128xi32, #tpu.memory_space<hbm>>) target(%arg4 : memref<80x128xi32, #tpu.memory_space<vmem>>) target_semaphore(%run_scoped3A_55 : memref<!tpu.dma_semaphore, #tpu.memory_space<semaphore_mem>>)
      %dma_wait3A = arith.constant 0 : i32
      %dma_wait3A_63 = arith.constant 0 : i32
      %dma_wait3A_64 = tpu.memref_slice %arg2[%add3A, %dma_wait3A, %dma_wait3A_63] : memref<32x80x128xi32, #tpu.memory_space<hbm>> -> memref<1x80x128xi32, #tpu.memory_space<hbm>>
      %dma_wait3A_65 = tpu.memref_squeeze %dma_wait3A_64 : memref<1x80x128xi32, #tpu.memory_space<hbm>> -> memref<80x128xi32, #tpu.memory_space<hbm>>
      %dma_wait3A_66 = arith.constant 0 : i32
      %dma_wait3A_67 = arith.constant 0 : i32
      %dma_wait3A_68 = tpu.memref_slice %arg2[%add3A, %dma_wait3A_66, %dma_wait3A_67] : memref<32x80x128xi32, #tpu.memory_space<hbm>> -> memref<1x80x128xi32, #tpu.memory_space<hbm>>
      %dma_wait3A_69 = tpu.memref_squeeze %dma_wait3A_68 : memref<1x80x128xi32, #tpu.memory_space<hbm>> -> memref<80x128xi32, #tpu.memory_space<hbm>>
      tpu.wait_dma2 semaphore(%run_scoped3A_55 : memref<!tpu.dma_semaphore, #tpu.memory_space<semaphore_mem>>) src(%dma_wait3A_69 : memref<80x128xi32, #tpu.memory_space<hbm>>) dst(%arg4 : memref<80x128xi32, #tpu.memory_space<vmem>>)
      tpu.yield
    }) : () -> ()
    %broadcast_in_dim3A_42 = arith.constant 1.000000e+00 : f32
    %broadcast_in_dim3A_43 = vector.broadcast %broadcast_in_dim3A_42 : f32 to vector<16xf32>
    %scan3A_44 = arith.constant 0 : i32
    %scan3A_45 = arith.constant 80 : i32
    %scan3A_46 = arith.addi %scan3A_44, %scan3A_45 : i32
    %scan3A_47 = arith.constant 1 : i32
    scf.for %scan3A_55 = %scan3A_44 to %scan3A_46 step %scan3A_47  : i32 {
      %mul3A_56 = arith.constant 1 : i32
      %mul3A_57 = arith.muli %scan3A_55, %mul3A_56 : i32
      %add3A_58 = arith.constant 0 : i32
      %add3A_59 = arith.addi %add3A_58, %mul3A_57 : i32
      %get3A = arith.index_cast %add3A_59 : i32 to index
      %get3A_60 = arith.constant 0 : index
      %get3A_61 = tpu.vector_load %arg4[%get3A, %get3A_60] {strides = array<i32>} : memref<80x128xi32, #tpu.memory_space<vmem>>, vector<16xi32>,
      %shift_right_logical3A = arith.constant 7 : i32
      %shift_right_logical3A_62 = vector.broadcast %shift_right_logical3A : i32 to vector<16xi32>
      %shift_right_logical3A_63 = arith.shrui %get3A_61, %shift_right_logical3A_62 : vector<16xi32>
      %and3A = arith.constant 127 : i32
      %and3A_64 = vector.broadcast %and3A : i32 to vector<16xi32>
      %and3A_65 = arith.andi %get3A_61, %and3A_64 : vector<16xi32>
      tpu.vector_store_idx %arg5[%shift_right_logical3A_63, %and3A_65], %broadcast_in_dim3A_43 {add = true} : memref<80x128xf32, #tpu.memory_space<vmem>>[vector<16xi32>, vector<16xi32>], vector<16xf32>,
      %get3A_66 = arith.index_cast %add3A_59 : i32 to index
      %get3A_67 = arith.constant 16 : index
      %get3A_68 = tpu.vector_load %arg4[%get3A_66, %get3A_67] {strides = array<i32>} : memref<80x128xi32, #tpu.memory_space<vmem>>, vector<16xi32>,
      %shift_right_logical3A_69 = arith.constant 7 : i32
      %shift_right_logical3A_70 = vector.broadcast %shift_right_logical3A_69 : i32 to vector<16xi32>
      %shift_right_logical3A_71 = arith.shrui %get3A_68, %shift_right_logical3A_70 : vector<16xi32>
      %and3A_72 = arith.constant 127 : i32
      %and3A_73 = vector.broadcast %and3A_72 : i32 to vector<16xi32>
      %and3A_74 = arith.andi %get3A_68, %and3A_73 : vector<16xi32>
      tpu.vector_store_idx %arg5[%shift_right_logical3A_71, %and3A_74], %broadcast_in_dim3A_43 {add = true} : memref<80x128xf32, #tpu.memory_space<vmem>>[vector<16xi32>, vector<16xi32>], vector<16xf32>,
      %get3A_75 = arith.index_cast %add3A_59 : i32 to index
      %get3A_76 = arith.constant 32 : index
      %get3A_77 = tpu.vector_load %arg4[%get3A_75, %get3A_76] {strides = array<i32>} : memref<80x128xi32, #tpu.memory_space<vmem>>, vector<16xi32>,
      %shift_right_logical3A_78 = arith.constant 7 : i32
      %shift_right_logical3A_79 = vector.broadcast %shift_right_logical3A_78 : i32 to vector<16xi32>
      %shift_right_logical3A_80 = arith.shrui %get3A_77, %shift_right_logical3A_79 : vector<16xi32>
      %and3A_81 = arith.constant 127 : i32
      %and3A_82 = vector.broadcast %and3A_81 : i32 to vector<16xi32>
      %and3A_83 = arith.andi %get3A_77, %and3A_82 : vector<16xi32>
      tpu.vector_store_idx %arg5[%shift_right_logical3A_80, %and3A_83], %broadcast_in_dim3A_43 {add = true} : memref<80x128xf32, #tpu.memory_space<vmem>>[vector<16xi32>, vector<16xi32>], vector<16xf32>,
      %get3A_84 = arith.index_cast %add3A_59 : i32 to index
      %get3A_85 = arith.constant 48 : index
      %get3A_86 = tpu.vector_load %arg4[%get3A_84, %get3A_85] {strides = array<i32>} : memref<80x128xi32, #tpu.memory_space<vmem>>, vector<16xi32>,
      %shift_right_logical3A_87 = arith.constant 7 : i32
      %shift_right_logical3A_88 = vector.broadcast %shift_right_logical3A_87 : i32 to vector<16xi32>
      %shift_right_logical3A_89 = arith.shrui %get3A_86, %shift_right_logical3A_88 : vector<16xi32>
      %and3A_90 = arith.constant 127 : i32
      %and3A_91 = vector.broadcast %and3A_90 : i32 to vector<16xi32>
      %and3A_92 = arith.andi %get3A_86, %and3A_91 : vector<16xi32>
      tpu.vector_store_idx %arg5[%shift_right_logical3A_89, %and3A_92], %broadcast_in_dim3A_43 {add = true} : memref<80x128xf32, #tpu.memory_space<vmem>>[vector<16xi32>, vector<16xi32>], vector<16xf32>,
      %get3A_93 = arith.index_cast %add3A_59 : i32 to index
      %get3A_94 = arith.constant 64 : index
      %get3A_95 = tpu.vector_load %arg4[%get3A_93, %get3A_94] {strides = array<i32>} : memref<80x128xi32, #tpu.memory_space<vmem>>, vector<16xi32>,
      %shift_right_logical3A_96 = arith.constant 7 : i32
      %shift_right_logical3A_97 = vector.broadcast %shift_right_logical3A_96 : i32 to vector<16xi32>
      %shift_right_logical3A_98 = arith.shrui %get3A_95, %shift_right_logical3A_97 : vector<16xi32>
      %and3A_99 = arith.constant 127 : i32
      %and3A_100 = vector.broadcast %and3A_99 : i32 to vector<16xi32>
      %and3A_101 = arith.andi %get3A_95, %and3A_100 : vector<16xi32>
      tpu.vector_store_idx %arg5[%shift_right_logical3A_98, %and3A_101], %broadcast_in_dim3A_43 {add = true} : memref<80x128xf32, #tpu.memory_space<vmem>>[vector<16xi32>, vector<16xi32>], vector<16xf32>,
      %get3A_102 = arith.index_cast %add3A_59 : i32 to index
      %get3A_103 = arith.constant 80 : index
      %get3A_104 = tpu.vector_load %arg4[%get3A_102, %get3A_103] {strides = array<i32>} : memref<80x128xi32, #tpu.memory_space<vmem>>, vector<16xi32>,
      %shift_right_logical3A_105 = arith.constant 7 : i32
      %shift_right_logical3A_106 = vector.broadcast %shift_right_logical3A_105 : i32 to vector<16xi32>
      %shift_right_logical3A_107 = arith.shrui %get3A_104, %shift_right_logical3A_106 : vector<16xi32>
      %and3A_108 = arith.constant 127 : i32
      %and3A_109 = vector.broadcast %and3A_108 : i32 to vector<16xi32>
      %and3A_110 = arith.andi %get3A_104, %and3A_109 : vector<16xi32>
      tpu.vector_store_idx %arg5[%shift_right_logical3A_107, %and3A_110], %broadcast_in_dim3A_43 {add = true} : memref<80x128xf32, #tpu.memory_space<vmem>>[vector<16xi32>, vector<16xi32>], vector<16xf32>,
      %get3A_111 = arith.index_cast %add3A_59 : i32 to index
      %get3A_112 = arith.constant 96 : index
      %get3A_113 = tpu.vector_load %arg4[%get3A_111, %get3A_112] {strides = array<i32>} : memref<80x128xi32, #tpu.memory_space<vmem>>, vector<16xi32>,
      %shift_right_logical3A_114 = arith.constant 7 : i32
      %shift_right_logical3A_115 = vector.broadcast %shift_right_logical3A_114 : i32 to vector<16xi32>
      %shift_right_logical3A_116 = arith.shrui %get3A_113, %shift_right_logical3A_115 : vector<16xi32>
      %and3A_117 = arith.constant 127 : i32
      %and3A_118 = vector.broadcast %and3A_117 : i32 to vector<16xi32>
      %and3A_119 = arith.andi %get3A_113, %and3A_118 : vector<16xi32>
      tpu.vector_store_idx %arg5[%shift_right_logical3A_116, %and3A_119], %broadcast_in_dim3A_43 {add = true} : memref<80x128xf32, #tpu.memory_space<vmem>>[vector<16xi32>, vector<16xi32>], vector<16xf32>,
      %get3A_120 = arith.index_cast %add3A_59 : i32 to index
      %get3A_121 = arith.constant 112 : index
      %get3A_122 = tpu.vector_load %arg4[%get3A_120, %get3A_121] {strides = array<i32>} : memref<80x128xi32, #tpu.memory_space<vmem>>, vector<16xi32>,
      %shift_right_logical3A_123 = arith.constant 7 : i32
      %shift_right_logical3A_124 = vector.broadcast %shift_right_logical3A_123 : i32 to vector<16xi32>
      %shift_right_logical3A_125 = arith.shrui %get3A_122, %shift_right_logical3A_124 : vector<16xi32>
      %and3A_126 = arith.constant 127 : i32
      %and3A_127 = vector.broadcast %and3A_126 : i32 to vector<16xi32>
      %and3A_128 = arith.andi %get3A_122, %and3A_127 : vector<16xi32>
      tpu.vector_store_idx %arg5[%shift_right_logical3A_125, %and3A_128], %broadcast_in_dim3A_43 {add = true} : memref<80x128xf32, #tpu.memory_space<vmem>>[vector<16xi32>, vector<16xi32>], vector<16xf32>,
    }
    %scan3A_48 = arith.constant 80 : i32
    %run_scoped3A = arith.constant 0 : i32
    "tpu.region"() ({
      %run_scoped3A_55 = tpu.sem_alloc : memref<!tpu.dma_semaphore, #tpu.memory_space<semaphore_mem>>
      %dma_start3A = arith.constant 0 : i32
      %dma_start3A_56 = tpu.memref_slice %arg6[%run_scoped3A, %dma_start3A] : memref<1x80xi32, #tpu.memory_space<vmem>> -> memref<1x80xi32, #tpu.memory_space<vmem>>
      %dma_start3A_57 = tpu.memref_squeeze %dma_start3A_56 : memref<1x80xi32, #tpu.memory_space<vmem>> -> memref<80xi32, #tpu.memory_space<vmem>>
      %dma_start3A_58 = arith.constant 0 : i32
      %dma_start3A_59 = arith.constant 0 : i32
      %dma_start3A_60 = tpu.memref_slice %arg7[%dma_start3A_58, %dma_start3A_59] : memref<80x128xf32, #tpu.memory_space<vmem_shared>> -> memref<80x128xf32, #tpu.memory_space<vmem_shared>>
      tpu.enqueue_indirect_dma source(%arg5 : memref<80x128xf32, #tpu.memory_space<vmem>>) target(%dma_start3A_60 : memref<80x128xf32, #tpu.memory_space<vmem_shared>>) offsets(%dma_start3A_57 : memref<80xi32, #tpu.memory_space<vmem>>) semaphore(%run_scoped3A_55 : memref<!tpu.dma_semaphore, #tpu.memory_space<semaphore_mem>>) {add = true}
      %dma_wait3A = arith.constant 0 : i32
      %dma_wait3A_61 = tpu.memref_slice %arg6[%run_scoped3A, %dma_wait3A] : memref<1x80xi32, #tpu.memory_space<vmem>> -> memref<1x80xi32, #tpu.memory_space<vmem>>
      %dma_wait3A_62 = tpu.memref_squeeze %dma_wait3A_61 : memref<1x80xi32, #tpu.memory_space<vmem>> -> memref<80xi32, #tpu.memory_space<vmem>>
      %dma_wait3A_63 = arith.constant 0 : i32
      %dma_wait3A_64 = arith.constant 0 : i32
      %dma_wait3A_65 = tpu.memref_slice %arg7[%dma_wait3A_63, %dma_wait3A_64] : memref<80x128xf32, #tpu.memory_space<vmem_shared>> -> memref<80x128xf32, #tpu.memory_space<vmem_shared>>
      tpu.wait_indirect_dma semaphore(%run_scoped3A_55 : memref<!tpu.dma_semaphore, #tpu.memory_space<semaphore_mem>>) src(%arg5 : memref<80x128xf32, #tpu.memory_space<vmem>>) dst(%dma_wait3A_65 : memref<80x128xf32, #tpu.memory_space<vmem_shared>>)
      tpu.yield
    }) : () -> ()
    %barrier3A_49 = arith.constant 0 : index
    tpu.barrier barrier_id(%barrier3A_49)
    %eq3A_50 = arith.constant 0 : i32
    %eq3A_51 = arith.cmpi eq, %arg1, %eq3A_50 : i32
    %convert_element_type3A_52 = arith.extui %eq3A_51 : i1 to i32
    %cond3A_53 = arith.constant 0 : i32
    %cond3A_54 = arith.cmpi ne, %convert_element_type3A_52, %cond3A_53 : i32
    scf.if %cond3A_54 {
      %mul3A_55 = arith.constant 80 : i32
      %mul3A_56 = arith.muli %arg0, %mul3A_55 : i32
      "tpu.region"() ({
        %run_scoped3A_57 = tpu.sem_alloc : memref<!tpu.dma_semaphore, #tpu.memory_space<semaphore_mem>>
        %dma_start3A = arith.constant 0 : i32
        %dma_start3A_58 = tpu.memref_slice %arg3[%mul3A_56, %dma_start3A] : memref<160x128xf32, #tpu.memory_space<hbm>> -> memref<80x128xf32, #tpu.memory_space<hbm>>
        tpu.enqueue_dma source(%arg7 : memref<80x128xf32, #tpu.memory_space<vmem_shared>>) target(%dma_start3A_58 : memref<80x128xf32, #tpu.memory_space<hbm>>) target_semaphore(%run_scoped3A_57 : memref<!tpu.dma_semaphore, #tpu.memory_space<semaphore_mem>>)
        %dma_wait3A = arith.constant 0 : i32
        %dma_wait3A_59 = tpu.memref_slice %arg3[%mul3A_56, %dma_wait3A] : memref<160x128xf32, #tpu.memory_space<hbm>> -> memref<80x128xf32, #tpu.memory_space<hbm>>
        tpu.wait_dma2 semaphore(%run_scoped3A_57 : memref<!tpu.dma_semaphore, #tpu.memory_space<semaphore_mem>>) src(%arg7 : memref<80x128xf32, #tpu.memory_space<vmem_shared>>) dst(%dma_wait3A_59 : memref<80x128xf32, #tpu.memory_space<hbm>>)
        tpu.yield
      }) : () -> ()
    } else {
    }
    return
  }
}

#map = affine_map<(d0, d1) -> (0, 0)>
#map1 = affine_map<(d0, d1) -> (0, 0, 0, 0)>
#map2 = affine_map<(d0, d1) -> (0, 0, 0)>
module attributes {stable_mosaic.version = 14 : i64} {
  func.func @body(%arg0: i32, %arg1: i32, %arg2: memref<20480x64xf32, #tpu.memory_space<hbm>>, %arg3: memref<2x32x80x128xi32, #tpu.memory_space<hbm>>, %arg4: memref<32x80x128xi32, #tpu.memory_space<hbm>>, %arg5: memref<20480x64xf32, #tpu.memory_space<hbm>>, %arg6: memref<160x128xi32, #tpu.memory_space<vmem>>, %arg7: memref<160x128xi32, #tpu.memory_space<vmem>>, %arg8: memref<128x64xf32, #tpu.memory_space<vmem>>, %arg9: memref<128x64xf32, #tpu.memory_space<vmem>>, %arg10: memref<128x64xf32, #tpu.memory_space<vmem>>, %arg11: memref<128x64xf32, #tpu.memory_space<vmem>>, %arg12: memref<10240x64xf32, #tpu.memory_space<vmem_shared>>, %arg13: memref<!tpu.dma_semaphore, #tpu.memory_space<semaphore_mem>>, %arg14: memref<!tpu.dma_semaphore, #tpu.memory_space<semaphore_mem>>, %arg15: memref<!tpu.dma_semaphore, #tpu.memory_space<semaphore_mem>>, %arg16: memref<!tpu.dma_semaphore, #tpu.memory_space<semaphore_mem>>, %arg17: memref<!tpu.dma_semaphore, #tpu.memory_space<semaphore_mem>>, %arg18: memref<!tpu.dma_semaphore, #tpu.memory_space<semaphore_mem>>, %arg19: memref<!tpu.dma_semaphore, #tpu.memory_space<semaphore_mem>>, %arg20: memref<!tpu.dma_semaphore, #tpu.memory_space<semaphore_mem>>) attributes {dimension_semantics = [#tpu.dimension_semantics<core_parallel>, #tpu.dimension_semantics<subcore_parallel>], iteration_bounds = array<i64: 2, 16>, scalar_prefetch = 0 : i64, scratch_operands = 15 : i64, tpu.core_type = #tpu.core_type<sc_vector_subcore>, window_params = [{transform_indices = #map}, {transform_indices = #map1}, {transform_indices = #map2}, {transform_indices = #map}]} {
    %broadcast_in_dim3A = arith.constant 0.000000e+00 : f32
    %broadcast_in_dim3A_0 = vector.broadcast %broadcast_in_dim3A : f32 to vector<16xf32>
    %mul3A = arith.constant 640 : i32
    %mul3A_1 = arith.muli %arg1, %mul3A : i32
    %scan3A = arith.constant 0 : i32
    %scan3A_2 = arith.constant 128 : i32
    %scan3A_3 = arith.addi %scan3A, %scan3A_2 : i32
    %scan3A_4 = arith.constant 1 : i32
    scf.for %scan3A_51 = %scan3A to %scan3A_3 step %scan3A_4  : i32 {
      %mul3A_52 = arith.constant 1 : i32
      %mul3A_53 = arith.muli %scan3A_51, %mul3A_52 : i32
      %add3A_54 = arith.constant 0 : i32
      %add3A_55 = arith.addi %add3A_54, %mul3A_53 : i32
      %scan3A_56 = arith.constant 0 : i32
      %scan3A_57 = arith.constant 4 : i32
      %scan3A_58 = arith.addi %scan3A_56, %scan3A_57 : i32
      %scan3A_59 = arith.constant 1 : i32
      scf.for %scan3A_61 = %scan3A_56 to %scan3A_58 step %scan3A_59  : i32 {
        %mul3A_62 = arith.constant 16 : i32
        %mul3A_63 = arith.muli %scan3A_61, %mul3A_62 : i32
        %add3A_64 = arith.constant 0 : i32
        %add3A_65 = arith.addi %add3A_64, %mul3A_63 : i32
        %swap3A = arith.index_cast %add3A_55 : i32 to index
        %swap3A_66 = arith.index_cast %add3A_65 : i32 to index
        %swap3A_67 = tpu.vector_load %arg8[%swap3A, %swap3A_66] {strides = array<i32>} : memref<128x64xf32, #tpu.memory_space<vmem>>, vector<16xf32>,
        tpu.vector_store %arg8[%swap3A, %swap3A_66], %broadcast_in_dim3A_0 {strides = array<i32>} : memref<128x64xf32, #tpu.memory_space<vmem>>, vector<16xf32>,
      }
      %scan3A_60 = arith.constant 4 : i32
    }
    %scan3A_5 = arith.constant 128 : i32
    %scan3A_6 = arith.constant 0 : i32
    %scan3A_7 = arith.constant 5 : i32
    %scan3A_8 = arith.addi %scan3A_6, %scan3A_7 : i32
    %scan3A_9 = arith.constant 1 : i32
    scf.for %scan3A_51 = %scan3A_6 to %scan3A_8 step %scan3A_9  : i32 {
      %mul3A_52 = arith.constant 1 : i32
      %mul3A_53 = arith.muli %scan3A_51, %mul3A_52 : i32
      %add3A_54 = arith.constant 0 : i32
      %add3A_55 = arith.addi %add3A_54, %mul3A_53 : i32
      %mul3A_56 = arith.constant 128 : i32
      %mul3A_57 = arith.muli %add3A_55, %mul3A_56 : i32
      %add3A_58 = arith.addi %mul3A_1, %mul3A_57 : i32
      "tpu.region"() ({
        %run_scoped3A = tpu.sem_alloc : memref<!tpu.dma_semaphore, #tpu.memory_space<semaphore_mem>>
        %dma_start3A = arith.constant 0 : i32
        %dma_start3A_59 = tpu.memref_slice %arg12[%add3A_58, %dma_start3A] : memref<10240x64xf32, #tpu.memory_space<vmem_shared>> -> memref<128x64xf32, #tpu.memory_space<vmem_shared>>
        %dma_start3A_60 = arith.constant 0 : i32
        %dma_start3A_61 = tpu.memref_slice %arg12[%add3A_58, %dma_start3A_60] : memref<10240x64xf32, #tpu.memory_space<vmem_shared>> -> memref<128x64xf32, #tpu.memory_space<vmem_shared>>
        tpu.enqueue_dma source(%arg8 : memref<128x64xf32, #tpu.memory_space<vmem>>) target(%dma_start3A_61 : memref<128x64xf32, #tpu.memory_space<vmem_shared>>) target_semaphore(%run_scoped3A : memref<!tpu.dma_semaphore, #tpu.memory_space<semaphore_mem>>)
        %dma_wait3A_62 = arith.constant 0 : i32
        %dma_wait3A_63 = tpu.memref_slice %arg12[%add3A_58, %dma_wait3A_62] : memref<10240x64xf32, #tpu.memory_space<vmem_shared>> -> memref<128x64xf32, #tpu.memory_space<vmem_shared>>
        %dma_wait3A_64 = arith.constant 0 : i32
        %dma_wait3A_65 = tpu.memref_slice %arg12[%add3A_58, %dma_wait3A_64] : memref<10240x64xf32, #tpu.memory_space<vmem_shared>> -> memref<128x64xf32, #tpu.memory_space<vmem_shared>>
        tpu.wait_dma2 semaphore(%run_scoped3A : memref<!tpu.dma_semaphore, #tpu.memory_space<semaphore_mem>>) src(%arg8 : memref<128x64xf32, #tpu.memory_space<vmem>>) dst(%dma_wait3A_65 : memref<128x64xf32, #tpu.memory_space<vmem_shared>>)
        tpu.yield
      }) : () -> ()
    }
    %scan3A_10 = arith.constant 5 : i32
    %barrier3A = arith.constant 0 : index
    tpu.barrier barrier_id(%barrier3A)
    %scan3A_11 = arith.constant 0 : i32
    %scan3A_12 = arith.constant 2 : i32
    %scan3A_13 = arith.addi %scan3A_11, %scan3A_12 : i32
    %scan3A_14 = arith.constant 1 : i32
    scf.for %scan3A_51 = %scan3A_11 to %scan3A_13 step %scan3A_14  : i32 {
      %mul3A_52 = arith.constant 1 : i32
      %mul3A_53 = arith.muli %scan3A_51, %mul3A_52 : i32
      %add3A_54 = arith.constant 0 : i32
      %add3A_55 = arith.addi %add3A_54, %mul3A_53 : i32
      %mul3A_56 = arith.constant 2 : i32
      %mul3A_57 = arith.muli %mul3A_56, %arg1 : i32
      %add3A_58 = arith.addi %mul3A_57, %add3A_55 : i32
      %mul3A_59 = arith.constant 80 : i32
      %mul3A_60 = arith.muli %add3A_55, %mul3A_59 : i32
      "tpu.region"() ({
        %run_scoped3A = tpu.sem_alloc : memref<!tpu.dma_semaphore, #tpu.memory_space<semaphore_mem>>
        %dma_start3A = arith.constant 0 : i32
        %dma_start3A_66 = tpu.memref_slice %arg6[%mul3A_60, %dma_start3A] : memref<160x128xi32, #tpu.memory_space<vmem>> -> memref<80x128xi32, #tpu.memory_space<vmem>>
        %dma_start3A_67 = arith.constant 0 : i32
        %dma_start3A_68 = arith.constant 0 : i32
        %dma_start3A_69 = tpu.memref_slice %arg3[%arg0, %add3A_58, %dma_start3A_67, %dma_start3A_68] : memref<2x32x80x128xi32, #tpu.memory_space<hbm>> -> memref<1x1x80x128xi32, #tpu.memory_space<hbm>>
        %dma_start3A_70 = tpu.memref_squeeze %dma_start3A_69 : memref<1x1x80x128xi32, #tpu.memory_space<hbm>> -> memref<80x128xi32, #tpu.memory_space<hbm>>
        %dma_start3A_71 = arith.constant 0 : i32
        %dma_start3A_72 = tpu.memref_slice %arg6[%mul3A_60, %dma_start3A_71] : memref<160x128xi32, #tpu.memory_space<vmem>> -> memref<80x128xi32, #tpu.memory_space<vmem>>
        %dma_start3A_73 = arith.constant 0 : i32
        %dma_start3A_74 = arith.constant 0 : i32
        %dma_start3A_75 = tpu.memref_slice %arg3[%arg0, %add3A_58, %dma_start3A_73, %dma_start3A_74] : memref<2x32x80x128xi32, #tpu.memory_space<hbm>> -> memref<1x1x80x128xi32, #tpu.memory_space<hbm>>
        %dma_start3A_76 = tpu.memref_squeeze %dma_start3A_75 : memref<1x1x80x128xi32, #tpu.memory_space<hbm>> -> memref<80x128xi32, #tpu.memory_space<hbm>>
        tpu.enqueue_dma source(%dma_start3A_76 : memref<80x128xi32, #tpu.memory_space<hbm>>) target(%dma_start3A_72 : memref<80x128xi32, #tpu.memory_space<vmem>>) target_semaphore(%run_scoped3A : memref<!tpu.dma_semaphore, #tpu.memory_space<semaphore_mem>>)
        %dma_wait3A_77 = arith.constant 0 : i32
        %dma_wait3A_78 = tpu.memref_slice %arg6[%mul3A_60, %dma_wait3A_77] : memref<160x128xi32, #tpu.memory_space<vmem>> -> memref<80x128xi32, #tpu.memory_space<vmem>>
        %dma_wait3A_79 = arith.constant 0 : i32
        %dma_wait3A_80 = arith.constant 0 : i32
        %dma_wait3A_81 = tpu.memref_slice %arg3[%arg0, %add3A_58, %dma_wait3A_79, %dma_wait3A_80] : memref<2x32x80x128xi32, #tpu.memory_space<hbm>> -> memref<1x1x80x128xi32, #tpu.memory_space<hbm>>
        %dma_wait3A_82 = tpu.memref_squeeze %dma_wait3A_81 : memref<1x1x80x128xi32, #tpu.memory_space<hbm>> -> memref<80x128xi32, #tpu.memory_space<hbm>>
        %dma_wait3A_83 = arith.constant 0 : i32
        %dma_wait3A_84 = tpu.memref_slice %arg6[%mul3A_60, %dma_wait3A_83] : memref<160x128xi32, #tpu.memory_space<vmem>> -> memref<80x128xi32, #tpu.memory_space<vmem>>
        %dma_wait3A_85 = arith.constant 0 : i32
        %dma_wait3A_86 = arith.constant 0 : i32
        %dma_wait3A_87 = tpu.memref_slice %arg3[%arg0, %add3A_58, %dma_wait3A_85, %dma_wait3A_86] : memref<2x32x80x128xi32, #tpu.memory_space<hbm>> -> memref<1x1x80x128xi32, #tpu.memory_space<hbm>>
        %dma_wait3A_88 = tpu.memref_squeeze %dma_wait3A_87 : memref<1x1x80x128xi32, #tpu.memory_space<hbm>> -> memref<80x128xi32, #tpu.memory_space<hbm>>
        tpu.wait_dma2 semaphore(%run_scoped3A : memref<!tpu.dma_semaphore, #tpu.memory_space<semaphore_mem>>) src(%dma_wait3A_88 : memref<80x128xi32, #tpu.memory_space<hbm>>) dst(%dma_wait3A_84 : memref<80x128xi32, #tpu.memory_space<vmem>>)
        tpu.yield
      }) : () -> ()
      %mul3A_61 = arith.constant 2 : i32
      %mul3A_62 = arith.muli %mul3A_61, %arg1 : i32
      %add3A_63 = arith.addi %mul3A_62, %add3A_55 : i32
      %mul3A_64 = arith.constant 80 : i32
      %mul3A_65 = arith.muli %add3A_55, %mul3A_64 : i32
      "tpu.region"() ({
        %run_scoped3A = tpu.sem_alloc : memref<!tpu.dma_semaphore, #tpu.memory_space<semaphore_mem>>
        %dma_start3A = arith.constant 0 : i32
        %dma_start3A_66 = tpu.memref_slice %arg7[%mul3A_65, %dma_start3A] : memref<160x128xi32, #tpu.memory_space<vmem>> -> memref<80x128xi32, #tpu.memory_space<vmem>>
        %dma_start3A_67 = arith.constant 0 : i32
        %dma_start3A_68 = arith.constant 0 : i32
        %dma_start3A_69 = tpu.memref_slice %arg4[%add3A_63, %dma_start3A_67, %dma_start3A_68] : memref<32x80x128xi32, #tpu.memory_space<hbm>> -> memref<1x80x128xi32, #tpu.memory_space<hbm>>
        %dma_start3A_70 = tpu.memref_squeeze %dma_start3A_69 : memref<1x80x128xi32, #tpu.memory_space<hbm>> -> memref<80x128xi32, #tpu.memory_space<hbm>>
        %dma_start3A_71 = arith.constant 0 : i32
        %dma_start3A_72 = tpu.memref_slice %arg7[%mul3A_65, %dma_start3A_71] : memref<160x128xi32, #tpu.memory_space<vmem>> -> memref<80x128xi32, #tpu.memory_space<vmem>>
        %dma_start3A_73 = arith.constant 0 : i32
        %dma_start3A_74 = arith.constant 0 : i32
        %dma_start3A_75 = tpu.memref_slice %arg4[%add3A_63, %dma_start3A_73, %dma_start3A_74] : memref<32x80x128xi32, #tpu.memory_space<hbm>> -> memref<1x80x128xi32, #tpu.memory_space<hbm>>
        %dma_start3A_76 = tpu.memref_squeeze %dma_start3A_75 : memref<1x80x128xi32, #tpu.memory_space<hbm>> -> memref<80x128xi32, #tpu.memory_space<hbm>>
        tpu.enqueue_dma source(%dma_start3A_76 : memref<80x128xi32, #tpu.memory_space<hbm>>) target(%dma_start3A_72 : memref<80x128xi32, #tpu.memory_space<vmem>>) target_semaphore(%run_scoped3A : memref<!tpu.dma_semaphore, #tpu.memory_space<semaphore_mem>>)
        %dma_wait3A_77 = arith.constant 0 : i32
        %dma_wait3A_78 = tpu.memref_slice %arg7[%mul3A_65, %dma_wait3A_77] : memref<160x128xi32, #tpu.memory_space<vmem>> -> memref<80x128xi32, #tpu.memory_space<vmem>>
        %dma_wait3A_79 = arith.constant 0 : i32
        %dma_wait3A_80 = arith.constant 0 : i32
        %dma_wait3A_81 = tpu.memref_slice %arg4[%add3A_63, %dma_wait3A_79, %dma_wait3A_80] : memref<32x80x128xi32, #tpu.memory_space<hbm>> -> memref<1x80x128xi32, #tpu.memory_space<hbm>>
        %dma_wait3A_82 = tpu.memref_squeeze %dma_wait3A_81 : memref<1x80x128xi32, #tpu.memory_space<hbm>> -> memref<80x128xi32, #tpu.memory_space<hbm>>
        %dma_wait3A_83 = arith.constant 0 : i32
        %dma_wait3A_84 = tpu.memref_slice %arg7[%mul3A_65, %dma_wait3A_83] : memref<160x128xi32, #tpu.memory_space<vmem>> -> memref<80x128xi32, #tpu.memory_space<vmem>>
        %dma_wait3A_85 = arith.constant 0 : i32
        %dma_wait3A_86 = arith.constant 0 : i32
        %dma_wait3A_87 = tpu.memref_slice %arg4[%add3A_63, %dma_wait3A_85, %dma_wait3A_86] : memref<32x80x128xi32, #tpu.memory_space<hbm>> -> memref<1x80x128xi32, #tpu.memory_space<hbm>>
        %dma_wait3A_88 = tpu.memref_squeeze %dma_wait3A_87 : memref<1x80x128xi32, #tpu.memory_space<hbm>> -> memref<80x128xi32, #tpu.memory_space<hbm>>
        tpu.wait_dma2 semaphore(%run_scoped3A : memref<!tpu.dma_semaphore, #tpu.memory_space<semaphore_mem>>) src(%dma_wait3A_88 : memref<80x128xi32, #tpu.memory_space<hbm>>) dst(%dma_wait3A_84 : memref<80x128xi32, #tpu.memory_space<vmem>>)
        tpu.yield
      }) : () -> ()
    }
    %scan3A_15 = arith.constant 2 : i32
    %scan3A_16 = arith.constant 0 : i32
    %scan3A_17 = arith.constant 40 : i32
    %scan3A_18 = arith.addi %scan3A_16, %scan3A_17 : i32
    %scan3A_19 = arith.constant 1 : i32
    scf.for %scan3A_51 = %scan3A_16 to %scan3A_18 step %scan3A_19  : i32 {
      %mul3A_52 = arith.constant 4 : i32
      %mul3A_53 = arith.muli %scan3A_51, %mul3A_52 : i32
      %add3A_54 = arith.constant 0 : i32
      %add3A_55 = arith.addi %add3A_54, %mul3A_53 : i32
      %ge3A = arith.constant 4 : i32
      %ge3A_56 = arith.cmpi sge, %add3A_55, %ge3A : i32
      %convert_element_type3A = arith.extui %ge3A_56 : i1 to i32
      %cond3A = arith.constant 0 : i32
      %cond3A_57 = arith.cmpi ne, %convert_element_type3A, %cond3A : i32
      scf.if %cond3A_57 {
        %sub3A = arith.constant 4 : i32
        %sub3A_168 = arith.subi %add3A_55, %sub3A : i32
        %add3A_169 = arith.constant 0 : i32
        %add3A_170 = arith.addi %sub3A_168, %add3A_169 : i32
        %dma_wait3A_171 = arith.constant 0 : i32
        %dma_wait3A_172 = tpu.memref_slice %arg7[%add3A_170, %dma_wait3A_171] : memref<160x128xi32, #tpu.memory_space<vmem>> -> memref<1x128xi32, #tpu.memory_space<vmem>>
        %dma_wait3A_173 = tpu.memref_squeeze %dma_wait3A_172 : memref<1x128xi32, #tpu.memory_space<vmem>> -> memref<128xi32, #tpu.memory_space<vmem>>
        %dma_wait3A_174 = arith.constant 0 : i32
        %dma_wait3A_175 = arith.constant 0 : i32
        %dma_wait3A_176 = tpu.memref_slice %arg12[%dma_wait3A_174, %dma_wait3A_175] : memref<10240x64xf32, #tpu.memory_space<vmem_shared>> -> memref<10240x64xf32, #tpu.memory_space<vmem_shared>>
        tpu.wait_indirect_dma semaphore(%arg17 : memref<!tpu.dma_semaphore, #tpu.memory_space<semaphore_mem>>) src(%arg8 : memref<128x64xf32, #tpu.memory_space<vmem>>) dst(%dma_wait3A_176 : memref<10240x64xf32, #tpu.memory_space<vmem_shared>>)
      } else {
      }
      %add3A_58 = arith.constant 0 : i32
      %add3A_59 = arith.addi %add3A_55, %add3A_58 : i32
      %dma_start3A = arith.constant 0 : i32
      %dma_start3A_60 = tpu.memref_slice %arg6[%add3A_59, %dma_start3A] : memref<160x128xi32, #tpu.memory_space<vmem>> -> memref<1x128xi32, #tpu.memory_space<vmem>>
      %dma_start3A_61 = tpu.memref_squeeze %dma_start3A_60 : memref<1x128xi32, #tpu.memory_space<vmem>> -> memref<128xi32, #tpu.memory_space<vmem>>
      %dma_start3A_62 = arith.constant 0 : i32
      %dma_start3A_63 = arith.constant 0 : i32
      %dma_start3A_64 = tpu.memref_slice %arg2[%dma_start3A_62, %dma_start3A_63] : memref<20480x64xf32, #tpu.memory_space<hbm>> -> memref<20480x64xf32, #tpu.memory_space<hbm>>
      tpu.enqueue_indirect_dma source(%dma_start3A_64 : memref<20480x64xf32, #tpu.memory_space<hbm>>) target(%arg8 : memref<128x64xf32, #tpu.memory_space<vmem>>) offsets(%dma_start3A_61 : memref<128xi32, #tpu.memory_space<vmem>>) semaphore(%arg13 : memref<!tpu.dma_semaphore, #tpu.memory_space<semaphore_mem>>)
      %ge3A_65 = arith.constant 4 : i32
      %ge3A_66 = arith.cmpi sge, %add3A_55, %ge3A_65 : i32
      %convert_element_type3A_67 = arith.extui %ge3A_66 : i1 to i32
      %cond3A_68 = arith.constant 0 : i32
      %cond3A_69 = arith.cmpi ne, %convert_element_type3A_67, %cond3A_68 : i32
      scf.if %cond3A_69 {
        %sub3A = arith.constant 4 : i32
        %sub3A_168 = arith.subi %add3A_55, %sub3A : i32
        %add3A_169 = arith.constant 1 : i32
        %add3A_170 = arith.addi %sub3A_168, %add3A_169 : i32
        %dma_wait3A_171 = arith.constant 0 : i32
        %dma_wait3A_172 = tpu.memref_slice %arg7[%add3A_170, %dma_wait3A_171] : memref<160x128xi32, #tpu.memory_space<vmem>> -> memref<1x128xi32, #tpu.memory_space<vmem>>
        %dma_wait3A_173 = tpu.memref_squeeze %dma_wait3A_172 : memref<1x128xi32, #tpu.memory_space<vmem>> -> memref<128xi32, #tpu.memory_space<vmem>>
        %dma_wait3A_174 = arith.constant 0 : i32
        %dma_wait3A_175 = arith.constant 0 : i32
        %dma_wait3A_176 = tpu.memref_slice %arg12[%dma_wait3A_174, %dma_wait3A_175] : memref<10240x64xf32, #tpu.memory_space<vmem_shared>> -> memref<10240x64xf32, #tpu.memory_space<vmem_shared>>
        tpu.wait_indirect_dma semaphore(%arg18 : memref<!tpu.dma_semaphore, #tpu.memory_space<semaphore_mem>>) src(%arg9 : memref<128x64xf32, #tpu.memory_space<vmem>>) dst(%dma_wait3A_176 : memref<10240x64xf32, #tpu.memory_space<vmem_shared>>)
      } else {
      }
      %add3A_70 = arith.constant 1 : i32
      %add3A_71 = arith.addi %add3A_55, %add3A_70 : i32
      %dma_start3A_72 = arith.constant 0 : i32
      %dma_start3A_73 = tpu.memref_slice %arg6[%add3A_71, %dma_start3A_72] : memref<160x128xi32, #tpu.memory_space<vmem>> -> memref<1x128xi32, #tpu.memory_space<vmem>>
      %dma_start3A_74 = tpu.memref_squeeze %dma_start3A_73 : memref<1x128xi32, #tpu.memory_space<vmem>> -> memref<128xi32, #tpu.memory_space<vmem>>
      %dma_start3A_75 = arith.constant 0 : i32
      %dma_start3A_76 = arith.constant 0 : i32
      %dma_start3A_77 = tpu.memref_slice %arg2[%dma_start3A_75, %dma_start3A_76] : memref<20480x64xf32, #tpu.memory_space<hbm>> -> memref<20480x64xf32, #tpu.memory_space<hbm>>
      tpu.enqueue_indirect_dma source(%dma_start3A_77 : memref<20480x64xf32, #tpu.memory_space<hbm>>) target(%arg9 : memref<128x64xf32, #tpu.memory_space<vmem>>) offsets(%dma_start3A_74 : memref<128xi32, #tpu.memory_space<vmem>>) semaphore(%arg14 : memref<!tpu.dma_semaphore, #tpu.memory_space<semaphore_mem>>)
      %ge3A_78 = arith.constant 4 : i32
      %ge3A_79 = arith.cmpi sge, %add3A_55, %ge3A_78 : i32
      %convert_element_type3A_80 = arith.extui %ge3A_79 : i1 to i32
      %cond3A_81 = arith.constant 0 : i32
      %cond3A_82 = arith.cmpi ne, %convert_element_type3A_80, %cond3A_81 : i32
      scf.if %cond3A_82 {
        %sub3A = arith.constant 4 : i32
        %sub3A_168 = arith.subi %add3A_55, %sub3A : i32
        %add3A_169 = arith.constant 2 : i32
        %add3A_170 = arith.addi %sub3A_168, %add3A_169 : i32
        %dma_wait3A_171 = arith.constant 0 : i32
        %dma_wait3A_172 = tpu.memref_slice %arg7[%add3A_170, %dma_wait3A_171] : memref<160x128xi32, #tpu.memory_space<vmem>> -> memref<1x128xi32, #tpu.memory_space<vmem>>
        %dma_wait3A_173 = tpu.memref_squeeze %dma_wait3A_172 : memref<1x128xi32, #tpu.memory_space<vmem>> -> memref<128xi32, #tpu.memory_space<vmem>>
        %dma_wait3A_174 = arith.constant 0 : i32
        %dma_wait3A_175 = arith.constant 0 : i32
        %dma_wait3A_176 = tpu.memref_slice %arg12[%dma_wait3A_174, %dma_wait3A_175] : memref<10240x64xf32, #tpu.memory_space<vmem_shared>> -> memref<10240x64xf32, #tpu.memory_space<vmem_shared>>
        tpu.wait_indirect_dma semaphore(%arg19 : memref<!tpu.dma_semaphore, #tpu.memory_space<semaphore_mem>>) src(%arg10 : memref<128x64xf32, #tpu.memory_space<vmem>>) dst(%dma_wait3A_176 : memref<10240x64xf32, #tpu.memory_space<vmem_shared>>)
      } else {
      }
      %add3A_83 = arith.constant 2 : i32
      %add3A_84 = arith.addi %add3A_55, %add3A_83 : i32
      %dma_start3A_85 = arith.constant 0 : i32
      %dma_start3A_86 = tpu.memref_slice %arg6[%add3A_84, %dma_start3A_85] : memref<160x128xi32, #tpu.memory_space<vmem>> -> memref<1x128xi32, #tpu.memory_space<vmem>>
      %dma_start3A_87 = tpu.memref_squeeze %dma_start3A_86 : memref<1x128xi32, #tpu.memory_space<vmem>> -> memref<128xi32, #tpu.memory_space<vmem>>
      %dma_start3A_88 = arith.constant 0 : i32
      %dma_start3A_89 = arith.constant 0 : i32
      %dma_start3A_90 = tpu.memref_slice %arg2[%dma_start3A_88, %dma_start3A_89] : memref<20480x64xf32, #tpu.memory_space<hbm>> -> memref<20480x64xf32, #tpu.memory_space<hbm>>
      tpu.enqueue_indirect_dma source(%dma_start3A_90 : memref<20480x64xf32, #tpu.memory_space<hbm>>) target(%arg10 : memref<128x64xf32, #tpu.memory_space<vmem>>) offsets(%dma_start3A_87 : memref<128xi32, #tpu.memory_space<vmem>>) semaphore(%arg15 : memref<!tpu.dma_semaphore, #tpu.memory_space<semaphore_mem>>)
      %ge3A_91 = arith.constant 4 : i32
      %ge3A_92 = arith.cmpi sge, %add3A_55, %ge3A_91 : i32
      %convert_element_type3A_93 = arith.extui %ge3A_92 : i1 to i32
      %cond3A_94 = arith.constant 0 : i32
      %cond3A_95 = arith.cmpi ne, %convert_element_type3A_93, %cond3A_94 : i32
      scf.if %cond3A_95 {
        %sub3A = arith.constant 4 : i32
        %sub3A_168 = arith.subi %add3A_55, %sub3A : i32
        %add3A_169 = arith.constant 3 : i32
        %add3A_170 = arith.addi %sub3A_168, %add3A_169 : i32
        %dma_wait3A_171 = arith.constant 0 : i32
        %dma_wait3A_172 = tpu.memref_slice %arg7[%add3A_170, %dma_wait3A_171] : memref<160x128xi32, #tpu.memory_space<vmem>> -> memref<1x128xi32, #tpu.memory_space<vmem>>
        %dma_wait3A_173 = tpu.memref_squeeze %dma_wait3A_172 : memref<1x128xi32, #tpu.memory_space<vmem>> -> memref<128xi32, #tpu.memory_space<vmem>>
        %dma_wait3A_174 = arith.constant 0 : i32
        %dma_wait3A_175 = arith.constant 0 : i32
        %dma_wait3A_176 = tpu.memref_slice %arg12[%dma_wait3A_174, %dma_wait3A_175] : memref<10240x64xf32, #tpu.memory_space<vmem_shared>> -> memref<10240x64xf32, #tpu.memory_space<vmem_shared>>
        tpu.wait_indirect_dma semaphore(%arg20 : memref<!tpu.dma_semaphore, #tpu.memory_space<semaphore_mem>>) src(%arg11 : memref<128x64xf32, #tpu.memory_space<vmem>>) dst(%dma_wait3A_176 : memref<10240x64xf32, #tpu.memory_space<vmem_shared>>)
      } else {
      }
      %add3A_96 = arith.constant 3 : i32
      %add3A_97 = arith.addi %add3A_55, %add3A_96 : i32
      %dma_start3A_98 = arith.constant 0 : i32
      %dma_start3A_99 = tpu.memref_slice %arg6[%add3A_97, %dma_start3A_98] : memref<160x128xi32, #tpu.memory_space<vmem>> -> memref<1x128xi32, #tpu.memory_space<vmem>>
      %dma_start3A_100 = tpu.memref_squeeze %dma_start3A_99 : memref<1x128xi32, #tpu.memory_space<vmem>> -> memref<128xi32, #tpu.memory_space<vmem>>
      %dma_start3A_101 = arith.constant 0 : i32
      %dma_start3A_102 = arith.constant 0 : i32
      %dma_start3A_103 = tpu.memref_slice %arg2[%dma_start3A_101, %dma_start3A_102] : memref<20480x64xf32, #tpu.memory_space<hbm>> -> memref<20480x64xf32, #tpu.memory_space<hbm>>
      tpu.enqueue_indirect_dma source(%dma_start3A_103 : memref<20480x64xf32, #tpu.memory_space<hbm>>) target(%arg11 : memref<128x64xf32, #tpu.memory_space<vmem>>) offsets(%dma_start3A_100 : memref<128xi32, #tpu.memory_space<vmem>>) semaphore(%arg16 : memref<!tpu.dma_semaphore, #tpu.memory_space<semaphore_mem>>)
      %add3A_104 = arith.constant 0 : i32
      %add3A_105 = arith.addi %add3A_55, %add3A_104 : i32
      %dma_wait3A_106 = arith.constant 0 : i32
      %dma_wait3A_107 = tpu.memref_slice %arg6[%add3A_105, %dma_wait3A_106] : memref<160x128xi32, #tpu.memory_space<vmem>> -> memref<1x128xi32, #tpu.memory_space<vmem>>
      %dma_wait3A_108 = tpu.memref_squeeze %dma_wait3A_107 : memref<1x128xi32, #tpu.memory_space<vmem>> -> memref<128xi32, #tpu.memory_space<vmem>>
      %dma_wait3A_109 = arith.constant 0 : i32
      %dma_wait3A_110 = arith.constant 0 : i32
      %dma_wait3A_111 = tpu.memref_slice %arg2[%dma_wait3A_109, %dma_wait3A_110] : memref<20480x64xf32, #tpu.memory_space<hbm>> -> memref<20480x64xf32, #tpu.memory_space<hbm>>
      tpu.wait_indirect_dma semaphore(%arg13 : memref<!tpu.dma_semaphore, #tpu.memory_space<semaphore_mem>>) src(%dma_wait3A_111 : memref<20480x64xf32, #tpu.memory_space<hbm>>) dst(%arg8 : memref<128x64xf32, #tpu.memory_space<vmem>>)
      %add3A_112 = arith.constant 0 : i32
      %add3A_113 = arith.addi %add3A_55, %add3A_112 : i32
      %dma_start3A_114 = arith.constant 0 : i32
      %dma_start3A_115 = tpu.memref_slice %arg7[%add3A_113, %dma_start3A_114] : memref<160x128xi32, #tpu.memory_space<vmem>> -> memref<1x128xi32, #tpu.memory_space<vmem>>
      %dma_start3A_116 = tpu.memref_squeeze %dma_start3A_115 : memref<1x128xi32, #tpu.memory_space<vmem>> -> memref<128xi32, #tpu.memory_space<vmem>>
      %dma_start3A_117 = arith.constant 0 : i32
      %dma_start3A_118 = arith.constant 0 : i32
      %dma_start3A_119 = tpu.memref_slice %arg12[%dma_start3A_117, %dma_start3A_118] : memref<10240x64xf32, #tpu.memory_space<vmem_shared>> -> memref<10240x64xf32, #tpu.memory_space<vmem_shared>>
      tpu.enqueue_indirect_dma source(%arg8 : memref<128x64xf32, #tpu.memory_space<vmem>>) target(%dma_start3A_119 : memref<10240x64xf32, #tpu.memory_space<vmem_shared>>) offsets(%dma_start3A_116 : memref<128xi32, #tpu.memory_space<vmem>>) semaphore(%arg17 : memref<!tpu.dma_semaphore, #tpu.memory_space<semaphore_mem>>) {add = true}
      %add3A_120 = arith.constant 1 : i32
      %add3A_121 = arith.addi %add3A_55, %add3A_120 : i32
      %dma_wait3A_122 = arith.constant 0 : i32
      %dma_wait3A_123 = tpu.memref_slice %arg6[%add3A_121, %dma_wait3A_122] : memref<160x128xi32, #tpu.memory_space<vmem>> -> memref<1x128xi32, #tpu.memory_space<vmem>>
      %dma_wait3A_124 = tpu.memref_squeeze %dma_wait3A_123 : memref<1x128xi32, #tpu.memory_space<vmem>> -> memref<128xi32, #tpu.memory_space<vmem>>
      %dma_wait3A_125 = arith.constant 0 : i32
      %dma_wait3A_126 = arith.constant 0 : i32
      %dma_wait3A_127 = tpu.memref_slice %arg2[%dma_wait3A_125, %dma_wait3A_126] : memref<20480x64xf32, #tpu.memory_space<hbm>> -> memref<20480x64xf32, #tpu.memory_space<hbm>>
      tpu.wait_indirect_dma semaphore(%arg14 : memref<!tpu.dma_semaphore, #tpu.memory_space<semaphore_mem>>) src(%dma_wait3A_127 : memref<20480x64xf32, #tpu.memory_space<hbm>>) dst(%arg9 : memref<128x64xf32, #tpu.memory_space<vmem>>)
      %add3A_128 = arith.constant 1 : i32
      %add3A_129 = arith.addi %add3A_55, %add3A_128 : i32
      %dma_start3A_130 = arith.constant 0 : i32
      %dma_start3A_131 = tpu.memref_slice %arg7[%add3A_129, %dma_start3A_130] : memref<160x128xi32, #tpu.memory_space<vmem>> -> memref<1x128xi32, #tpu.memory_space<vmem>>
      %dma_start3A_132 = tpu.memref_squeeze %dma_start3A_131 : memref<1x128xi32, #tpu.memory_space<vmem>> -> memref<128xi32, #tpu.memory_space<vmem>>
      %dma_start3A_133 = arith.constant 0 : i32
      %dma_start3A_134 = arith.constant 0 : i32
      %dma_start3A_135 = tpu.memref_slice %arg12[%dma_start3A_133, %dma_start3A_134] : memref<10240x64xf32, #tpu.memory_space<vmem_shared>> -> memref<10240x64xf32, #tpu.memory_space<vmem_shared>>
      tpu.enqueue_indirect_dma source(%arg9 : memref<128x64xf32, #tpu.memory_space<vmem>>) target(%dma_start3A_135 : memref<10240x64xf32, #tpu.memory_space<vmem_shared>>) offsets(%dma_start3A_132 : memref<128xi32, #tpu.memory_space<vmem>>) semaphore(%arg18 : memref<!tpu.dma_semaphore, #tpu.memory_space<semaphore_mem>>) {add = true}
      %add3A_136 = arith.constant 2 : i32
      %add3A_137 = arith.addi %add3A_55, %add3A_136 : i32
      %dma_wait3A_138 = arith.constant 0 : i32
      %dma_wait3A_139 = tpu.memref_slice %arg6[%add3A_137, %dma_wait3A_138] : memref<160x128xi32, #tpu.memory_space<vmem>> -> memref<1x128xi32, #tpu.memory_space<vmem>>
      %dma_wait3A_140 = tpu.memref_squeeze %dma_wait3A_139 : memref<1x128xi32, #tpu.memory_space<vmem>> -> memref<128xi32, #tpu.memory_space<vmem>>
      %dma_wait3A_141 = arith.constant 0 : i32
      %dma_wait3A_142 = arith.constant 0 : i32
      %dma_wait3A_143 = tpu.memref_slice %arg2[%dma_wait3A_141, %dma_wait3A_142] : memref<20480x64xf32, #tpu.memory_space<hbm>> -> memref<20480x64xf32, #tpu.memory_space<hbm>>
      tpu.wait_indirect_dma semaphore(%arg15 : memref<!tpu.dma_semaphore, #tpu.memory_space<semaphore_mem>>) src(%dma_wait3A_143 : memref<20480x64xf32, #tpu.memory_space<hbm>>) dst(%arg10 : memref<128x64xf32, #tpu.memory_space<vmem>>)
      %add3A_144 = arith.constant 2 : i32
      %add3A_145 = arith.addi %add3A_55, %add3A_144 : i32
      %dma_start3A_146 = arith.constant 0 : i32
      %dma_start3A_147 = tpu.memref_slice %arg7[%add3A_145, %dma_start3A_146] : memref<160x128xi32, #tpu.memory_space<vmem>> -> memref<1x128xi32, #tpu.memory_space<vmem>>
      %dma_start3A_148 = tpu.memref_squeeze %dma_start3A_147 : memref<1x128xi32, #tpu.memory_space<vmem>> -> memref<128xi32, #tpu.memory_space<vmem>>
      %dma_start3A_149 = arith.constant 0 : i32
      %dma_start3A_150 = arith.constant 0 : i32
      %dma_start3A_151 = tpu.memref_slice %arg12[%dma_start3A_149, %dma_start3A_150] : memref<10240x64xf32, #tpu.memory_space<vmem_shared>> -> memref<10240x64xf32, #tpu.memory_space<vmem_shared>>
      tpu.enqueue_indirect_dma source(%arg10 : memref<128x64xf32, #tpu.memory_space<vmem>>) target(%dma_start3A_151 : memref<10240x64xf32, #tpu.memory_space<vmem_shared>>) offsets(%dma_start3A_148 : memref<128xi32, #tpu.memory_space<vmem>>) semaphore(%arg19 : memref<!tpu.dma_semaphore, #tpu.memory_space<semaphore_mem>>) {add = true}
      %add3A_152 = arith.constant 3 : i32
      %add3A_153 = arith.addi %add3A_55, %add3A_152 : i32
      %dma_wait3A_154 = arith.constant 0 : i32
      %dma_wait3A_155 = tpu.memref_slice %arg6[%add3A_153, %dma_wait3A_154] : memref<160x128xi32, #tpu.memory_space<vmem>> -> memref<1x128xi32, #tpu.memory_space<vmem>>
      %dma_wait3A_156 = tpu.memref_squeeze %dma_wait3A_155 : memref<1x128xi32, #tpu.memory_space<vmem>> -> memref<128xi32, #tpu.memory_space<vmem>>
      %dma_wait3A_157 = arith.constant 0 : i32
      %dma_wait3A_158 = arith.constant 0 : i32
      %dma_wait3A_159 = tpu.memref_slice %arg2[%dma_wait3A_157, %dma_wait3A_158] : memref<20480x64xf32, #tpu.memory_space<hbm>> -> memref<20480x64xf32, #tpu.memory_space<hbm>>
      tpu.wait_indirect_dma semaphore(%arg16 : memref<!tpu.dma_semaphore, #tpu.memory_space<semaphore_mem>>) src(%dma_wait3A_159 : memref<20480x64xf32, #tpu.memory_space<hbm>>) dst(%arg11 : memref<128x64xf32, #tpu.memory_space<vmem>>)
      %add3A_160 = arith.constant 3 : i32
      %add3A_161 = arith.addi %add3A_55, %add3A_160 : i32
      %dma_start3A_162 = arith.constant 0 : i32
      %dma_start3A_163 = tpu.memref_slice %arg7[%add3A_161, %dma_start3A_162] : memref<160x128xi32, #tpu.memory_space<vmem>> -> memref<1x128xi32, #tpu.memory_space<vmem>>
      %dma_start3A_164 = tpu.memref_squeeze %dma_start3A_163 : memref<1x128xi32, #tpu.memory_space<vmem>> -> memref<128xi32, #tpu.memory_space<vmem>>
      %dma_start3A_165 = arith.constant 0 : i32
      %dma_start3A_166 = arith.constant 0 : i32
      %dma_start3A_167 = tpu.memref_slice %arg12[%dma_start3A_165, %dma_start3A_166] : memref<10240x64xf32, #tpu.memory_space<vmem_shared>> -> memref<10240x64xf32, #tpu.memory_space<vmem_shared>>
      tpu.enqueue_indirect_dma source(%arg11 : memref<128x64xf32, #tpu.memory_space<vmem>>) target(%dma_start3A_167 : memref<10240x64xf32, #tpu.memory_space<vmem_shared>>) offsets(%dma_start3A_164 : memref<128xi32, #tpu.memory_space<vmem>>) semaphore(%arg20 : memref<!tpu.dma_semaphore, #tpu.memory_space<semaphore_mem>>) {add = true}
    }
    %scan3A_20 = arith.constant 40 : i32
    %dma_wait3A = arith.constant 156 : i32
    %dma_wait3A_21 = arith.constant 0 : i32
    %dma_wait3A_22 = tpu.memref_slice %arg7[%dma_wait3A, %dma_wait3A_21] : memref<160x128xi32, #tpu.memory_space<vmem>> -> memref<1x128xi32, #tpu.memory_space<vmem>>
    %dma_wait3A_23 = tpu.memref_squeeze %dma_wait3A_22 : memref<1x128xi32, #tpu.memory_space<vmem>> -> memref<128xi32, #tpu.memory_space<vmem>>
    %dma_wait3A_24 = arith.constant 0 : i32
    %dma_wait3A_25 = arith.constant 0 : i32
    %dma_wait3A_26 = tpu.memref_slice %arg12[%dma_wait3A_24, %dma_wait3A_25] : memref<10240x64xf32, #tpu.memory_space<vmem_shared>> -> memref<10240x64xf32, #tpu.memory_space<vmem_shared>>
    tpu.wait_indirect_dma semaphore(%arg17 : memref<!tpu.dma_semaphore, #tpu.memory_space<semaphore_mem>>) src(%arg8 : memref<128x64xf32, #tpu.memory_space<vmem>>) dst(%dma_wait3A_26 : memref<10240x64xf32, #tpu.memory_space<vmem_shared>>)
    %dma_wait3A_27 = arith.constant 157 : i32
    %dma_wait3A_28 = arith.constant 0 : i32
    %dma_wait3A_29 = tpu.memref_slice %arg7[%dma_wait3A_27, %dma_wait3A_28] : memref<160x128xi32, #tpu.memory_space<vmem>> -> memref<1x128xi32, #tpu.memory_space<vmem>>
    %dma_wait3A_30 = tpu.memref_squeeze %dma_wait3A_29 : memref<1x128xi32, #tpu.memory_space<vmem>> -> memref<128xi32, #tpu.memory_space<vmem>>
    %dma_wait3A_31 = arith.constant 0 : i32
    %dma_wait3A_32 = arith.constant 0 : i32
    %dma_wait3A_33 = tpu.memref_slice %arg12[%dma_wait3A_31, %dma_wait3A_32] : memref<10240x64xf32, #tpu.memory_space<vmem_shared>> -> memref<10240x64xf32, #tpu.memory_space<vmem_shared>>
    tpu.wait_indirect_dma semaphore(%arg18 : memref<!tpu.dma_semaphore, #tpu.memory_space<semaphore_mem>>) src(%arg9 : memref<128x64xf32, #tpu.memory_space<vmem>>) dst(%dma_wait3A_33 : memref<10240x64xf32, #tpu.memory_space<vmem_shared>>)
    %dma_wait3A_34 = arith.constant 158 : i32
    %dma_wait3A_35 = arith.constant 0 : i32
    %dma_wait3A_36 = tpu.memref_slice %arg7[%dma_wait3A_34, %dma_wait3A_35] : memref<160x128xi32, #tpu.memory_space<vmem>> -> memref<1x128xi32, #tpu.memory_space<vmem>>
    %dma_wait3A_37 = tpu.memref_squeeze %dma_wait3A_36 : memref<1x128xi32, #tpu.memory_space<vmem>> -> memref<128xi32, #tpu.memory_space<vmem>>
    %dma_wait3A_38 = arith.constant 0 : i32
    %dma_wait3A_39 = arith.constant 0 : i32
    %dma_wait3A_40 = tpu.memref_slice %arg12[%dma_wait3A_38, %dma_wait3A_39] : memref<10240x64xf32, #tpu.memory_space<vmem_shared>> -> memref<10240x64xf32, #tpu.memory_space<vmem_shared>>
    tpu.wait_indirect_dma semaphore(%arg19 : memref<!tpu.dma_semaphore, #tpu.memory_space<semaphore_mem>>) src(%arg10 : memref<128x64xf32, #tpu.memory_space<vmem>>) dst(%dma_wait3A_40 : memref<10240x64xf32, #tpu.memory_space<vmem_shared>>)
    %dma_wait3A_41 = arith.constant 159 : i32
    %dma_wait3A_42 = arith.constant 0 : i32
    %dma_wait3A_43 = tpu.memref_slice %arg7[%dma_wait3A_41, %dma_wait3A_42] : memref<160x128xi32, #tpu.memory_space<vmem>> -> memref<1x128xi32, #tpu.memory_space<vmem>>
    %dma_wait3A_44 = tpu.memref_squeeze %dma_wait3A_43 : memref<1x128xi32, #tpu.memory_space<vmem>> -> memref<128xi32, #tpu.memory_space<vmem>>
    %dma_wait3A_45 = arith.constant 0 : i32
    %dma_wait3A_46 = arith.constant 0 : i32
    %dma_wait3A_47 = tpu.memref_slice %arg12[%dma_wait3A_45, %dma_wait3A_46] : memref<10240x64xf32, #tpu.memory_space<vmem_shared>> -> memref<10240x64xf32, #tpu.memory_space<vmem_shared>>
    tpu.wait_indirect_dma semaphore(%arg20 : memref<!tpu.dma_semaphore, #tpu.memory_space<semaphore_mem>>) src(%arg11 : memref<128x64xf32, #tpu.memory_space<vmem>>) dst(%dma_wait3A_47 : memref<10240x64xf32, #tpu.memory_space<vmem_shared>>)
    %barrier3A_48 = arith.constant 0 : index
    tpu.barrier barrier_id(%barrier3A_48)
    %mul3A_49 = arith.constant 10240 : i32
    %mul3A_50 = arith.muli %arg0, %mul3A_49 : i32
    %add3A = arith.addi %mul3A_50, %mul3A_1 : i32
    "tpu.region"() ({
      %run_scoped3A = tpu.sem_alloc : memref<!tpu.dma_semaphore, #tpu.memory_space<semaphore_mem>>
      %dma_start3A = arith.constant 0 : i32
      %dma_start3A_51 = tpu.memref_slice %arg5[%add3A, %dma_start3A] : memref<20480x64xf32, #tpu.memory_space<hbm>> -> memref<640x64xf32, #tpu.memory_space<hbm>>
      %dma_start3A_52 = arith.constant 0 : i32
      %dma_start3A_53 = tpu.memref_slice %arg12[%mul3A_1, %dma_start3A_52] : memref<10240x64xf32, #tpu.memory_space<vmem_shared>> -> memref<640x64xf32, #tpu.memory_space<vmem_shared>>
      tpu.enqueue_dma source(%dma_start3A_53 : memref<640x64xf32, #tpu.memory_space<vmem_shared>>) target(%dma_start3A_51 : memref<640x64xf32, #tpu.memory_space<hbm>>) target_semaphore(%run_scoped3A : memref<!tpu.dma_semaphore, #tpu.memory_space<semaphore_mem>>)
      %dma_wait3A_54 = arith.constant 0 : i32
      %dma_wait3A_55 = tpu.memref_slice %arg5[%add3A, %dma_wait3A_54] : memref<20480x64xf32, #tpu.memory_space<hbm>> -> memref<640x64xf32, #tpu.memory_space<hbm>>
      %dma_wait3A_56 = arith.constant 0 : i32
      %dma_wait3A_57 = tpu.memref_slice %arg12[%mul3A_1, %dma_wait3A_56] : memref<10240x64xf32, #tpu.memory_space<vmem_shared>> -> memref<640x64xf32, #tpu.memory_space<vmem_shared>>
      tpu.wait_dma2 semaphore(%run_scoped3A : memref<!tpu.dma_semaphore, #tpu.memory_space<semaphore_mem>>) src(%dma_wait3A_57 : memref<640x64xf32, #tpu.memory_space<vmem_shared>>) dst(%dma_wait3A_55 : memref<640x64xf32, #tpu.memory_space<hbm>>)
      tpu.yield
    }) : () -> ()
    return
  }
}

module attributes {stable_mosaic.version = 14 : i64} {
  func.func @_k_in_body(%arg0: i32, %arg1: memref<1024x128xf32, #tpu.memory_space<vmem>>, %arg2: memref<128x128xf32, #tpu.memory_space<vmem>>, %arg3: memref<1x128xf32, #tpu.memory_space<vmem>>, %arg4: memref<2x1024x64xf32, #tpu.memory_space<vmem>>) attributes {dimension_semantics = [#tpu.dimension_semantics<arbitrary>], iteration_bounds = array<i64: 10>, scalar_prefetch = 0 : i64, scratch_operands = 0 : i64, tpu.core_type = #tpu.core_type<tc>, window_params = [{transform_indices = @transform_0, window_bounds = array<i64: 1024, 128>}, {pipeline_mode = #tpu.pipeline_mode<synchronous>, transform_indices = @transform_1, window_bounds = array<i64: 128, 128>}, {pipeline_mode = #tpu.pipeline_mode<synchronous>, transform_indices = @transform_2, window_bounds = array<i64: 1, 128>}, {transform_indices = @transform_3, window_bounds = array<i64: 2, 1024, 64>}]} {
    %get3A = arith.constant 0 : index
    %get3A_0 = arith.constant 0 : index
    %get3A_1 = vector.load %arg1[%get3A, %get3A_0] : memref<1024x128xf32, #tpu.memory_space<vmem>>, vector<1024x128xf32>
    %get3A_2 = arith.constant 0 : index
    %get3A_3 = arith.constant 0 : index
    %get3A_4 = vector.load %arg2[%get3A_2, %get3A_3] : memref<128x128xf32, #tpu.memory_space<vmem>>, vector<128x128xf32>
    %dot_general3A = arith.constant dense<0.000000e+00> : vector<1024x128xf32>
    %dot_general3A_5 = tpu.matmul %get3A_1, %get3A_4, %dot_general3A {dimension_numbers = #tpu.dot_dimension_numbers<[1], [0], [0], [1], [0, 0, 1, 1], [], []>, transpose_lhs_hint = false} : vector<1024x128xf32>, vector<128x128xf32>, vector<1024x128xf32> -> vector<1024x128xf32>
    %get3A_6 = arith.constant 0 : index
    %get3A_7 = arith.constant 0 : index
    %get3A_8 = vector.load %arg3[%get3A_6, %get3A_7] : memref<1x128xf32, #tpu.memory_space<vmem>>, vector<1x128xf32>
    %add3A = vector.broadcast %get3A_8 : vector<1x128xf32> to vector<1024x128xf32>
    %add3A_9 = arith.addf %dot_general3A_5, %add3A : vector<1024x128xf32>
    %tanh3A = math.tanh %add3A_9 : vector<1024x128xf32>
    %slice3A = vector.extract_strided_slice %tanh3A {offsets = [0, 0], sizes = [1024, 64], strides = [1, 1]} : vector<1024x128xf32> to vector<1024x64xf32>
    %swap3A = arith.constant 0 : index
    %swap3A_10 = arith.constant 0 : index
    %swap3A_11 = arith.constant 0 : index
    %swap3A_12 = vector.load %arg4[%swap3A, %swap3A_10, %swap3A_11] : memref<2x1024x64xf32, #tpu.memory_space<vmem>>, vector<1x1024x64xf32>
    %swap3A_13 = vector.shape_cast %swap3A_12 : vector<1x1024x64xf32> to vector<1024x64xf32>
    %swap3A_14 = vector.shape_cast %slice3A : vector<1024x64xf32> to vector<1x1024x64xf32>
    tpu.vector_store %arg4[%swap3A, %swap3A_10, %swap3A_11], %swap3A_14 {strides = array<i32>} : memref<2x1024x64xf32, #tpu.memory_space<vmem>>, vector<1x1024x64xf32>,
    %slice3A_15 = vector.extract_strided_slice %tanh3A {offsets = [0, 64], sizes = [1024, 64], strides = [1, 1]} : vector<1024x128xf32> to vector<1024x64xf32>
    %swap3A_16 = arith.constant 1 : index
    %swap3A_17 = arith.constant 0 : index
    %swap3A_18 = arith.constant 0 : index
    %swap3A_19 = vector.load %arg4[%swap3A_16, %swap3A_17, %swap3A_18] : memref<2x1024x64xf32, #tpu.memory_space<vmem>>, vector<1x1024x64xf32>
    %swap3A_20 = vector.shape_cast %swap3A_19 : vector<1x1024x64xf32> to vector<1024x64xf32>
    %swap3A_21 = vector.shape_cast %slice3A_15 : vector<1024x64xf32> to vector<1x1024x64xf32>
    tpu.vector_store %arg4[%swap3A_16, %swap3A_17, %swap3A_18], %swap3A_21 {strides = array<i32>} : memref<2x1024x64xf32, #tpu.memory_space<vmem>>, vector<1x1024x64xf32>,
    return
  }
  func.func @transform_0(%arg0: i32) -> (i32, i32) {
    %c0_i32 = arith.constant 0 : i32
    %c0_i32_0 = arith.constant 0 : i32
    return %arg0, %c0_i32 : i32, i32
  }
  func.func @transform_1(%arg0: i32) -> (i32, i32) {
    %c0_i32 = arith.constant 0 : i32
    %c0_i32_0 = arith.constant 0 : i32
    %c0_i32_1 = arith.constant 0 : i32
    return %c0_i32, %c0_i32_0 : i32, i32
  }
  func.func @transform_2(%arg0: i32) -> (i32, i32) {
    %c0_i32 = arith.constant 0 : i32
    %c0_i32_0 = arith.constant 0 : i32
    %c0_i32_1 = arith.constant 0 : i32
    return %c0_i32, %c0_i32_0 : i32, i32
  }
  func.func @transform_3(%arg0: i32) -> (i32, i32, i32) {
    %c0_i32 = arith.constant 0 : i32
    %c0_i32_0 = arith.constant 0 : i32
    %c0_i32_1 = arith.constant 0 : i32
    return %c0_i32, %arg0, %c0_i32_0 : i32, i32, i32
  }
}

module attributes {stable_mosaic.version = 14 : i64} {
  func.func @_k_layer_body(%arg0: i32, %arg1: memref<2x1024x64xf32, #tpu.memory_space<vmem>>, %arg2: memref<2x1024x64xf32, #tpu.memory_space<vmem>>, %arg3: memref<1024x1xf32, #tpu.memory_space<vmem>>, %arg4: memref<1024x1xf32, #tpu.memory_space<vmem>>, %arg5: memref<128x128xf32, #tpu.memory_space<vmem>>, %arg6: memref<1x128xf32, #tpu.memory_space<vmem>>, %arg7: memref<128x128xf32, #tpu.memory_space<vmem>>, %arg8: memref<2x1024x64xf32, #tpu.memory_space<vmem>>) attributes {dimension_semantics = [#tpu.dimension_semantics<arbitrary>], iteration_bounds = array<i64: 10>, scalar_prefetch = 0 : i64, scratch_operands = 0 : i64, tpu.core_type = #tpu.core_type<tc>, window_params = [{transform_indices = @transform_0, window_bounds = array<i64: 2, 1024, 64>}, {transform_indices = @transform_1, window_bounds = array<i64: 2, 1024, 64>}, {transform_indices = @transform_2, window_bounds = array<i64: 1024, 1>}, {transform_indices = @transform_3, window_bounds = array<i64: 1024, 1>}, {pipeline_mode = #tpu.pipeline_mode<synchronous>, transform_indices = @transform_4, window_bounds = array<i64: 128, 128>}, {pipeline_mode = #tpu.pipeline_mode<synchronous>, transform_indices = @transform_5, window_bounds = array<i64: 1, 128>}, {pipeline_mode = #tpu.pipeline_mode<synchronous>, transform_indices = @transform_6, window_bounds = array<i64: 128, 128>}, {transform_indices = @transform_7, window_bounds = array<i64: 2, 1024, 64>}]} {
    %get3A = arith.constant 0 : index
    %get3A_0 = arith.constant 0 : index
    %get3A_1 = vector.load %arg3[%get3A, %get3A_0] : memref<1024x1xf32, #tpu.memory_space<vmem>>, vector<1024x1xf32>
    %get3A_2 = arith.constant 0 : index
    %get3A_3 = arith.constant 0 : index
    %get3A_4 = vector.load %arg4[%get3A_2, %get3A_3] : memref<1024x1xf32, #tpu.memory_space<vmem>>, vector<1024x1xf32>
    %add3A = arith.addf %get3A_1, %get3A_4 : vector<1024x1xf32>
    %max3A = arith.constant 1.000000e+00 : f32
    %max3A_5 = vector.broadcast %max3A : f32 to vector<1024x1xf32>
    %max3A_6 = arith.maximumf %add3A, %max3A_5 : vector<1024x1xf32>
    %get3A_7 = arith.constant 0 : index
    %get3A_8 = arith.constant 0 : index
    %get3A_9 = vector.load %arg5[%get3A_7, %get3A_8] : memref<128x128xf32, #tpu.memory_space<vmem>>, vector<128x128xf32>
    %get3A_10 = arith.constant 0 : index
    %get3A_11 = arith.constant 0 : index
    %get3A_12 = vector.load %arg7[%get3A_10, %get3A_11] : memref<128x128xf32, #tpu.memory_space<vmem>>, vector<128x128xf32>
    %get3A_13 = arith.constant 0 : index
    %get3A_14 = arith.constant 0 : index
    %get3A_15 = arith.constant 0 : index
    %get3A_16 = vector.load %arg1[%get3A_13, %get3A_14, %get3A_15] : memref<2x1024x64xf32, #tpu.memory_space<vmem>>, vector<1x1024x64xf32>
    %get3A_17 = vector.shape_cast %get3A_16 : vector<1x1024x64xf32> to vector<1024x64xf32>
    %slice3A = vector.extract_strided_slice %get3A_9 {offsets = [0, 0], sizes = [64, 128], strides = [1, 1]} : vector<128x128xf32> to vector<64x128xf32>
    %dot_general3A = arith.constant dense<0.000000e+00> : vector<1024x128xf32>
    %dot_general3A_18 = tpu.matmul %get3A_17, %slice3A, %dot_general3A {dimension_numbers = #tpu.dot_dimension_numbers<[1], [0], [0], [1], [0, 0, 1, 1], [], []>, transpose_lhs_hint = false} : vector<1024x64xf32>, vector<64x128xf32>, vector<1024x128xf32> -> vector<1024x128xf32>
    %get3A_19 = arith.constant 1 : index
    %get3A_20 = arith.constant 0 : index
    %get3A_21 = arith.constant 0 : index
    %get3A_22 = vector.load %arg1[%get3A_19, %get3A_20, %get3A_21] : memref<2x1024x64xf32, #tpu.memory_space<vmem>>, vector<1x1024x64xf32>
    %get3A_23 = vector.shape_cast %get3A_22 : vector<1x1024x64xf32> to vector<1024x64xf32>
    %slice3A_24 = vector.extract_strided_slice %get3A_9 {offsets = [64, 0], sizes = [64, 128], strides = [1, 1]} : vector<128x128xf32> to vector<64x128xf32>
    %dot_general3A_25 = arith.constant dense<0.000000e+00> : vector<1024x128xf32>
    %dot_general3A_26 = tpu.matmul %get3A_23, %slice3A_24, %dot_general3A_25 {dimension_numbers = #tpu.dot_dimension_numbers<[1], [0], [0], [1], [0, 0, 1, 1], [], []>, transpose_lhs_hint = false} : vector<1024x64xf32>, vector<64x128xf32>, vector<1024x128xf32> -> vector<1024x128xf32>
    %add3A_27 = arith.addf %dot_general3A_18, %dot_general3A_26 : vector<1024x128xf32>
    %get3A_28 = arith.constant 0 : index
    %get3A_29 = arith.constant 0 : index
    %get3A_30 = arith.constant 0 : index
    %get3A_31 = vector.load %arg2[%get3A_28, %get3A_29, %get3A_30] : memref<2x1024x64xf32, #tpu.memory_space<vmem>>, vector<1x1024x64xf32>
    %get3A_32 = vector.shape_cast %get3A_31 : vector<1x1024x64xf32> to vector<1024x64xf32>
    %div3A = vector.broadcast %max3A_6 : vector<1024x1xf32> to vector<1024x64xf32>
    %div3A_33 = arith.divf %get3A_32, %div3A : vector<1024x64xf32>
    %slice3A_34 = vector.extract_strided_slice %get3A_12 {offsets = [0, 0], sizes = [64, 128], strides = [1, 1]} : vector<128x128xf32> to vector<64x128xf32>
    %dot_general3A_35 = arith.constant dense<0.000000e+00> : vector<1024x128xf32>
    %dot_general3A_36 = tpu.matmul %div3A_33, %slice3A_34, %dot_general3A_35 {dimension_numbers = #tpu.dot_dimension_numbers<[1], [0], [0], [1], [0, 0, 1, 1], [], []>, transpose_lhs_hint = false} : vector<1024x64xf32>, vector<64x128xf32>, vector<1024x128xf32> -> vector<1024x128xf32>
    %get3A_37 = arith.constant 1 : index
    %get3A_38 = arith.constant 0 : index
    %get3A_39 = arith.constant 0 : index
    %get3A_40 = vector.load %arg2[%get3A_37, %get3A_38, %get3A_39] : memref<2x1024x64xf32, #tpu.memory_space<vmem>>, vector<1x1024x64xf32>
    %get3A_41 = vector.shape_cast %get3A_40 : vector<1x1024x64xf32> to vector<1024x64xf32>
    %div3A_42 = vector.broadcast %max3A_6 : vector<1024x1xf32> to vector<1024x64xf32>
    %div3A_43 = arith.divf %get3A_41, %div3A_42 : vector<1024x64xf32>
    %slice3A_44 = vector.extract_strided_slice %get3A_12 {offsets = [64, 0], sizes = [64, 128], strides = [1, 1]} : vector<128x128xf32> to vector<64x128xf32>
    %dot_general3A_45 = arith.constant dense<0.000000e+00> : vector<1024x128xf32>
    %dot_general3A_46 = tpu.matmul %div3A_43, %slice3A_44, %dot_general3A_45 {dimension_numbers = #tpu.dot_dimension_numbers<[1], [0], [0], [1], [0, 0, 1, 1], [], []>, transpose_lhs_hint = false} : vector<1024x64xf32>, vector<64x128xf32>, vector<1024x128xf32> -> vector<1024x128xf32>
    %add3A_47 = arith.addf %dot_general3A_36, %dot_general3A_46 : vector<1024x128xf32>
    %add3A_48 = arith.addf %add3A_27, %add3A_47 : vector<1024x128xf32>
    %get3A_49 = arith.constant 0 : index
    %get3A_50 = arith.constant 0 : index
    %get3A_51 = vector.load %arg6[%get3A_49, %get3A_50] : memref<1x128xf32, #tpu.memory_space<vmem>>, vector<1x128xf32>
    %add3A_52 = vector.broadcast %get3A_51 : vector<1x128xf32> to vector<1024x128xf32>
    %add3A_53 = arith.addf %add3A_48, %add3A_52 : vector<1024x128xf32>
    %max3A_54 = arith.constant 0.000000e+00 : f32
    %max3A_55 = vector.broadcast %max3A_54 : f32 to vector<1024x128xf32>
    %max3A_56 = arith.maximumf %add3A_53, %max3A_55 : vector<1024x128xf32>
    %slice3A_57 = vector.extract_strided_slice %max3A_56 {offsets = [0, 0], sizes = [1024, 64], strides = [1, 1]} : vector<1024x128xf32> to vector<1024x64xf32>
    %swap3A = arith.constant 0 : index
    %swap3A_58 = arith.constant 0 : index
    %swap3A_59 = arith.constant 0 : index
    %swap3A_60 = vector.load %arg8[%swap3A, %swap3A_58, %swap3A_59] : memref<2x1024x64xf32, #tpu.memory_space<vmem>>, vector<1x1024x64xf32>
    %swap3A_61 = vector.shape_cast %swap3A_60 : vector<1x1024x64xf32> to vector<1024x64xf32>
    %swap3A_62 = vector.shape_cast %slice3A_57 : vector<1024x64xf32> to vector<1x1024x64xf32>
    tpu.vector_store %arg8[%swap3A, %swap3A_58, %swap3A_59], %swap3A_62 {strides = array<i32>} : memref<2x1024x64xf32, #tpu.memory_space<vmem>>, vector<1x1024x64xf32>,
    %slice3A_63 = vector.extract_strided_slice %max3A_56 {offsets = [0, 64], sizes = [1024, 64], strides = [1, 1]} : vector<1024x128xf32> to vector<1024x64xf32>
    %swap3A_64 = arith.constant 1 : index
    %swap3A_65 = arith.constant 0 : index
    %swap3A_66 = arith.constant 0 : index
    %swap3A_67 = vector.load %arg8[%swap3A_64, %swap3A_65, %swap3A_66] : memref<2x1024x64xf32, #tpu.memory_space<vmem>>, vector<1x1024x64xf32>
    %swap3A_68 = vector.shape_cast %swap3A_67 : vector<1x1024x64xf32> to vector<1024x64xf32>
    %swap3A_69 = vector.shape_cast %slice3A_63 : vector<1024x64xf32> to vector<1x1024x64xf32>
    tpu.vector_store %arg8[%swap3A_64, %swap3A_65, %swap3A_66], %swap3A_69 {strides = array<i32>} : memref<2x1024x64xf32, #tpu.memory_space<vmem>>, vector<1x1024x64xf32>,
    return
  }
  func.func @transform_0(%arg0: i32) -> (i32, i32, i32) {
    %c0_i32 = arith.constant 0 : i32
    %c0_i32_0 = arith.constant 0 : i32
    %c0_i32_1 = arith.constant 0 : i32
    return %c0_i32, %arg0, %c0_i32_0 : i32, i32, i32
  }
  func.func @transform_1(%arg0: i32) -> (i32, i32, i32) {
    %c0_i32 = arith.constant 0 : i32
    %c0_i32_0 = arith.constant 0 : i32
    %c0_i32_1 = arith.constant 0 : i32
    return %c0_i32, %arg0, %c0_i32_0 : i32, i32, i32
  }
  func.func @transform_2(%arg0: i32) -> (i32, i32) {
    %c0_i32 = arith.constant 0 : i32
    %c0_i32_0 = arith.constant 0 : i32
    return %arg0, %c0_i32 : i32, i32
  }
  func.func @transform_3(%arg0: i32) -> (i32, i32) {
    %add3A = arith.constant 10 : i32
    %add3A_0 = arith.addi %arg0, %add3A : i32
    %c0_i32 = arith.constant 0 : i32
    %c0_i32_1 = arith.constant 0 : i32
    return %add3A_0, %c0_i32 : i32, i32
  }
  func.func @transform_4(%arg0: i32) -> (i32, i32) {
    %c0_i32 = arith.constant 0 : i32
    %c0_i32_0 = arith.constant 0 : i32
    %c0_i32_1 = arith.constant 0 : i32
    return %c0_i32, %c0_i32_0 : i32, i32
  }
  func.func @transform_5(%arg0: i32) -> (i32, i32) {
    %c0_i32 = arith.constant 0 : i32
    %c0_i32_0 = arith.constant 0 : i32
    %c0_i32_1 = arith.constant 0 : i32
    return %c0_i32, %c0_i32_0 : i32, i32
  }
  func.func @transform_6(%arg0: i32) -> (i32, i32) {
    %c0_i32 = arith.constant 0 : i32
    %c0_i32_0 = arith.constant 0 : i32
    %c0_i32_1 = arith.constant 0 : i32
    return %c0_i32, %c0_i32_0 : i32, i32
  }
  func.func @transform_7(%arg0: i32) -> (i32, i32, i32) {
    %c0_i32 = arith.constant 0 : i32
    %c0_i32_0 = arith.constant 0 : i32
    %c0_i32_1 = arith.constant 0 : i32
    return %c0_i32, %arg0, %c0_i32_0 : i32, i32, i32
  }
}

module attributes {stable_mosaic.version = 14 : i64} {
  func.func @_k_last_body(%arg0: i32, %arg1: memref<2x1000x64xf32, #tpu.memory_space<vmem>>, %arg2: memref<2x1000x64xf32, #tpu.memory_space<vmem>>, %arg3: memref<2x1000x1xf32, #tpu.memory_space<vmem>>, %arg4: memref<128x128xf32, #tpu.memory_space<vmem>>, %arg5: memref<1x128xf32, #tpu.memory_space<vmem>>, %arg6: memref<128x128xf32, #tpu.memory_space<vmem>>, %arg7: memref<1000x128xf32, #tpu.memory_space<vmem>>) attributes {dimension_semantics = [#tpu.dimension_semantics<arbitrary>], iteration_bounds = array<i64: 10>, scalar_prefetch = 0 : i64, scratch_operands = 0 : i64, tpu.core_type = #tpu.core_type<tc>, window_params = [{transform_indices = @transform_0, window_bounds = array<i64: 2, 1000, 64>}, {transform_indices = @transform_1, window_bounds = array<i64: 2, 1000, 64>}, {transform_indices = @transform_2, window_bounds = array<i64: 2, 1000, 1>}, {pipeline_mode = #tpu.pipeline_mode<synchronous>, transform_indices = @transform_3, window_bounds = array<i64: 128, 128>}, {pipeline_mode = #tpu.pipeline_mode<synchronous>, transform_indices = @transform_4, window_bounds = array<i64: 1, 128>}, {pipeline_mode = #tpu.pipeline_mode<synchronous>, transform_indices = @transform_5, window_bounds = array<i64: 128, 128>}, {transform_indices = @transform_6, window_bounds = array<i64: 1000, 128>}]} {
    %get3A = arith.constant 0 : index
    %get3A_0 = arith.constant 0 : index
    %get3A_1 = arith.constant 0 : index
    %get3A_2 = vector.load %arg3[%get3A, %get3A_0, %get3A_1] : memref<2x1000x1xf32, #tpu.memory_space<vmem>>, vector<1x1000x1xf32>
    %get3A_3 = vector.shape_cast %get3A_2 : vector<1x1000x1xf32> to vector<1000x1xf32>
    %get3A_4 = arith.constant 1 : index
    %get3A_5 = arith.constant 0 : index
    %get3A_6 = arith.constant 0 : index
    %get3A_7 = vector.load %arg3[%get3A_4, %get3A_5, %get3A_6] : memref<2x1000x1xf32, #tpu.memory_space<vmem>>, vector<1x1000x1xf32>
    %get3A_8 = vector.shape_cast %get3A_7 : vector<1x1000x1xf32> to vector<1000x1xf32>
    %add3A = arith.addf %get3A_3, %get3A_8 : vector<1000x1xf32>
    %max3A = arith.constant 1.000000e+00 : f32
    %max3A_9 = vector.broadcast %max3A : f32 to vector<1000x1xf32>
    %max3A_10 = arith.maximumf %add3A, %max3A_9 : vector<1000x1xf32>
    %get3A_11 = arith.constant 0 : index
    %get3A_12 = arith.constant 0 : index
    %get3A_13 = vector.load %arg4[%get3A_11, %get3A_12] : memref<128x128xf32, #tpu.memory_space<vmem>>, vector<128x128xf32>
    %get3A_14 = arith.constant 0 : index
    %get3A_15 = arith.constant 0 : index
    %get3A_16 = vector.load %arg6[%get3A_14, %get3A_15] : memref<128x128xf32, #tpu.memory_space<vmem>>, vector<128x128xf32>
    %get3A_17 = arith.constant 0 : index
    %get3A_18 = arith.constant 0 : index
    %get3A_19 = arith.constant 0 : index
    %get3A_20 = vector.load %arg1[%get3A_17, %get3A_18, %get3A_19] : memref<2x1000x64xf32, #tpu.memory_space<vmem>>, vector<1x1000x64xf32>
    %get3A_21 = vector.shape_cast %get3A_20 : vector<1x1000x64xf32> to vector<1000x64xf32>
    %slice3A = vector.extract_strided_slice %get3A_13 {offsets = [0, 0], sizes = [64, 128], strides = [1, 1]} : vector<128x128xf32> to vector<64x128xf32>
    %dot_general3A = arith.constant dense<0.000000e+00> : vector<1000x128xf32>
    %dot_general3A_22 = tpu.matmul %get3A_21, %slice3A, %dot_general3A {dimension_numbers = #tpu.dot_dimension_numbers<[1], [0], [0], [1], [0, 0, 1, 1], [], []>, transpose_lhs_hint = false} : vector<1000x64xf32>, vector<64x128xf32>, vector<1000x128xf32> -> vector<1000x128xf32>
    %get3A_23 = arith.constant 1 : index
    %get3A_24 = arith.constant 0 : index
    %get3A_25 = arith.constant 0 : index
    %get3A_26 = vector.load %arg1[%get3A_23, %get3A_24, %get3A_25] : memref<2x1000x64xf32, #tpu.memory_space<vmem>>, vector<1x1000x64xf32>
    %get3A_27 = vector.shape_cast %get3A_26 : vector<1x1000x64xf32> to vector<1000x64xf32>
    %slice3A_28 = vector.extract_strided_slice %get3A_13 {offsets = [64, 0], sizes = [64, 128], strides = [1, 1]} : vector<128x128xf32> to vector<64x128xf32>
    %dot_general3A_29 = arith.constant dense<0.000000e+00> : vector<1000x128xf32>
    %dot_general3A_30 = tpu.matmul %get3A_27, %slice3A_28, %dot_general3A_29 {dimension_numbers = #tpu.dot_dimension_numbers<[1], [0], [0], [1], [0, 0, 1, 1], [], []>, transpose_lhs_hint = false} : vector<1000x64xf32>, vector<64x128xf32>, vector<1000x128xf32> -> vector<1000x128xf32>
    %add3A_31 = arith.addf %dot_general3A_22, %dot_general3A_30 : vector<1000x128xf32>
    %get3A_32 = arith.constant 0 : index
    %get3A_33 = arith.constant 0 : index
    %get3A_34 = arith.constant 0 : index
    %get3A_35 = vector.load %arg2[%get3A_32, %get3A_33, %get3A_34] : memref<2x1000x64xf32, #tpu.memory_space<vmem>>, vector<1x1000x64xf32>
    %get3A_36 = vector.shape_cast %get3A_35 : vector<1x1000x64xf32> to vector<1000x64xf32>
    %div3A = vector.broadcast %max3A_10 : vector<1000x1xf32> to vector<1000x64xf32>
    %div3A_37 = arith.divf %get3A_36, %div3A : vector<1000x64xf32>
    %slice3A_38 = vector.extract_strided_slice %get3A_16 {offsets = [0, 0], sizes = [64, 128], strides = [1, 1]} : vector<128x128xf32> to vector<64x128xf32>
    %dot_general3A_39 = arith.constant dense<0.000000e+00> : vector<1000x128xf32>
    %dot_general3A_40 = tpu.matmul %div3A_37, %slice3A_38, %dot_general3A_39 {dimension_numbers = #tpu.dot_dimension_numbers<[1], [0], [0], [1], [0, 0, 1, 1], [], []>, transpose_lhs_hint = false} : vector<1000x64xf32>, vector<64x128xf32>, vector<1000x128xf32> -> vector<1000x128xf32>
    %get3A_41 = arith.constant 1 : index
    %get3A_42 = arith.constant 0 : index
    %get3A_43 = arith.constant 0 : index
    %get3A_44 = vector.load %arg2[%get3A_41, %get3A_42, %get3A_43] : memref<2x1000x64xf32, #tpu.memory_space<vmem>>, vector<1x1000x64xf32>
    %get3A_45 = vector.shape_cast %get3A_44 : vector<1x1000x64xf32> to vector<1000x64xf32>
    %div3A_46 = vector.broadcast %max3A_10 : vector<1000x1xf32> to vector<1000x64xf32>
    %div3A_47 = arith.divf %get3A_45, %div3A_46 : vector<1000x64xf32>
    %slice3A_48 = vector.extract_strided_slice %get3A_16 {offsets = [64, 0], sizes = [64, 128], strides = [1, 1]} : vector<128x128xf32> to vector<64x128xf32>
    %dot_general3A_49 = arith.constant dense<0.000000e+00> : vector<1000x128xf32>
    %dot_general3A_50 = tpu.matmul %div3A_47, %slice3A_48, %dot_general3A_49 {dimension_numbers = #tpu.dot_dimension_numbers<[1], [0], [0], [1], [0, 0, 1, 1], [], []>, transpose_lhs_hint = false} : vector<1000x64xf32>, vector<64x128xf32>, vector<1000x128xf32> -> vector<1000x128xf32>
    %add3A_51 = arith.addf %dot_general3A_40, %dot_general3A_50 : vector<1000x128xf32>
    %add3A_52 = arith.addf %add3A_31, %add3A_51 : vector<1000x128xf32>
    %get3A_53 = arith.constant 0 : index
    %get3A_54 = arith.constant 0 : index
    %get3A_55 = vector.load %arg5[%get3A_53, %get3A_54] : memref<1x128xf32, #tpu.memory_space<vmem>>, vector<1x128xf32>
    %add3A_56 = vector.broadcast %get3A_55 : vector<1x128xf32> to vector<1000x128xf32>
    %add3A_57 = arith.addf %add3A_52, %add3A_56 : vector<1000x128xf32>
    %max3A_58 = arith.constant 0.000000e+00 : f32
    %max3A_59 = vector.broadcast %max3A_58 : f32 to vector<1000x128xf32>
    %max3A_60 = arith.maximumf %add3A_57, %max3A_59 : vector<1000x128xf32>
    %swap3A = arith.constant 0 : index
    %swap3A_61 = arith.constant 0 : index
    %swap3A_62 = vector.load %arg7[%swap3A, %swap3A_61] : memref<1000x128xf32, #tpu.memory_space<vmem>>, vector<1000x128xf32>
    tpu.vector_store %arg7[%swap3A, %swap3A_61], %max3A_60 {strides = array<i32>} : memref<1000x128xf32, #tpu.memory_space<vmem>>, vector<1000x128xf32>,
    return
  }
  func.func @transform_0(%arg0: i32) -> (i32, i32, i32) {
    %c0_i32 = arith.constant 0 : i32
    %c0_i32_0 = arith.constant 0 : i32
    %c0_i32_1 = arith.constant 0 : i32
    return %c0_i32, %arg0, %c0_i32_0 : i32, i32, i32
  }
  func.func @transform_1(%arg0: i32) -> (i32, i32, i32) {
    %c0_i32 = arith.constant 0 : i32
    %c0_i32_0 = arith.constant 0 : i32
    %c0_i32_1 = arith.constant 0 : i32
    return %c0_i32, %arg0, %c0_i32_0 : i32, i32, i32
  }
  func.func @transform_2(%arg0: i32) -> (i32, i32, i32) {
    %c0_i32 = arith.constant 0 : i32
    %c0_i32_0 = arith.constant 0 : i32
    %c0_i32_1 = arith.constant 0 : i32
    return %c0_i32, %arg0, %c0_i32_0 : i32, i32, i32
  }
  func.func @transform_3(%arg0: i32) -> (i32, i32) {
    %c0_i32 = arith.constant 0 : i32
    %c0_i32_0 = arith.constant 0 : i32
    %c0_i32_1 = arith.constant 0 : i32
    return %c0_i32, %c0_i32_0 : i32, i32
  }
  func.func @transform_4(%arg0: i32) -> (i32, i32) {
    %c0_i32 = arith.constant 0 : i32
    %c0_i32_0 = arith.constant 0 : i32
    %c0_i32_1 = arith.constant 0 : i32
    return %c0_i32, %c0_i32_0 : i32, i32
  }
  func.func @transform_5(%arg0: i32) -> (i32, i32) {
    %c0_i32 = arith.constant 0 : i32
    %c0_i32_0 = arith.constant 0 : i32
    %c0_i32_1 = arith.constant 0 : i32
    return %c0_i32, %c0_i32_0 : i32, i32
  }
  func.func @transform_6(%arg0: i32) -> (i32, i32) {
    %c0_i32 = arith.constant 0 : i32
    %c0_i32_0 = arith.constant 0 : i32
    return %arg0, %c0_i32 : i32, i32
  }
}

</mosaic_0001>

<sc_bundles>
// kernel: kernel.11.cloned.1.call-start
scs
__scs_entry_jumppad:
0x0: {  	(pc) =	sbr.rel $0x88, $3  }
0x1: {  	(tag) =	ssettag $0x0;
	lr =	simm.s32 $0x1  }
0x2: {  	[smem:$0x3F97] =	sst lr;
	_ =	strace $0xD0000000  }
0x3: {  	_ = 	snop  }
0x4: {  	_ = 	snop  }
0x5: {  	_ = 	snop  }
0x6: {  	_ = 	snop  }
0x7: {  	_ = 	snop  }
__scs_overlays_trampoline_lowered:
0x8: {  	[smem:$0x3FA6] =	sst s0  }
0x9: {  	[smem:$0x3FA7] =	sst s1  }
0xa: {  	[smem:$0x3FA8] =	sst s2  }
0xb: {  	[smem:$0x3FA9] =	sst s3  }
0xc: {  	[smem:$0x3FAA] =	sst s4  }
0xd: {  	[smem:$0x3FAB] =	sst s5  }
0xe: {  	[smem:$0x3FAC] =	sst s6  }
0xf: {  	[smem:$0x3FAD] =	sst s7  }
0x10: {  	[smem:$0x3FAE] =	sst s8  }
0x11: {  	[smem:$0x3FAF] =	sst s9;
	s0 =	simm.s32 @!p0 $0x0  }
0x12: {  	s1 =	sld [smem:$0x3F95];
	s0 =	simm.s32 @p0 $0x1  }
0x13: {  	[smem:$0x3FB0] =	sst s0;
	s0 =	simm.s32 @!p1 $0x0  }
0x14: {  	s2 =	sld [smem:$0x3F94];
	s0 =	simm.s32 @p1 $0x1  }
0x15: {  	[smem:$0x3FB1] =	sst s0;
	s0 =	simm.s32 @!p2 $0x0  }
0x16: {  	s3 =	sld [smem:$0x3FDB];
	s0 =	simm.s32 @p2 $0x1  }
0x17: {  	s4 =	simm.s32 $0x1BF5;
	[smem:$0x3FB3] =	sst s0  }
0x18: {  	s0 =	sld [smem:$0x3F96];
	_ =	swait.ge [sflag:s4], $0x0  }
0x19: {  	s7 =	sld [smem:$0x3F97]  }
0x1a: {  	s8 =	sadd.s32 $0xFFFFE003, lr  }
0x1b: {  	s9 =	sadd.s32 $0xFFFFFEF7, lr;
	s5 =	simm.s32 $0xFFFFFFFF;
	p2 =	slt.u32 s8, $0xFFFFF086  }
0x1c: {  	p1 =	slt.u32 s9, $0xF7A;
	s5 =	simm.s32 @!p2 $0x0  }
0x1d: {  	s5 =	simm.s32 @p1 $0x1;
	p0 =	seq.s32 s7, s2  }
0x1e: {  	s7 =	smul.u32 @!p0 $0xF7A, s2;
	p2 =	seq.s32 @!p0 s5, $0x0  }
0x1f: {  	s9 =	smul.u32 $0xF7A, s1;
	s8 =	simm.s32 @!p0 $0x1BF5;
	p2 =	por !p2, p0  }
0x20: {  	[sflag:s8] =	ssyncset.s32 @!p0 $0xFFFFF086;
	s6 =	sadd.s32 @!p0 s3, s7;
	s7 =	simm.s32 @!p0 $0x108  }
0x21: {  	s3 =	sadd.s32 s3, s9;
	s6 =	sadd.s32 @!p0 $0x88, s6;
	s7 =	simm.s32 @p2 $0x1082  }
0x22: {  	[simem:s7], [sflag:s8] =	dma.local @!p0 [hbm:s6], $0xF7A  }
0x23: {  	s9 =	sor.u32 $0xD0000000, s2;
	s6 =	simm.s32 $0x108;
	_ =	swait.ge @!p0 [sflag:s8], $0x0  }
0x24: {  	s3 =	sadd.s32 $0x88, s3;
	s6 =	simm.s32 @!p1 $0x1082;
	[sflag:s4] =	ssyncset.s32 $0xFFFFF086  }
0x25: {  	[simem:s6], [sflag:s4] =	dma.local [hbm:s3], $0xF7A  }
0x26: {  	[smem:$0x3F97] =	sst s1;
	(tag) =	ssettag s2;
	_ =	strace s9  }
0x27: {  	s1 =	sld [smem:$0x3FA7]  }
0x28: {  	s2 =	sld [smem:$0x3FA8]  }
0x29: {  	s4 =	sld [smem:$0x3FAA]  }
0x2a: {  	p0 =	seq.s32 s5, $0x0;
	s5 =	sld [smem:$0x3FAB]  }
0x2b: {  	s6 =	sld [smem:$0x3FAC]  }
0x2c: {  	s7 =	sld [smem:$0x3FAD]  }
0x2d: {  	s3 =	simm.s32 $0x108;
	s8 =	sld [smem:$0x3FAE]  }
0x2e: {  	s3 =	simm.s32 @!p0 $0x1082;
	s9 =	sld [smem:$0x3FAF]  }
0x2f: {  	lr =	sadd.s32 s0, s3;
	s0 =	sld [smem:$0x3FA6]  }
0x30: {  	s3 =	sld [smem:$0x3FA9]  }
0x31: {  	[smem:$0x3FB2] =	sst s10  }
0x32: {  	s10 =	sld [smem:$0x3FB0];
	_ =	sdelay $0x3  }
0x33: {  	p0 =	seq.s32 s10, $0x1;
	s10 =	sld [smem:$0x3FB2];
	_ =	sdelay $0x3  }
0x34: {  	[smem:$0x3FB2] =	sst s10  }
0x35: {  	s10 =	sld [smem:$0x3FB1];
	_ =	sdelay $0x3  }
0x36: {  	p1 =	seq.s32 s10, $0x1;
	s10 =	sld [smem:$0x3FB2];
	_ =	sdelay $0x3  }
0x37: {  	[smem:$0x3FB2] =	sst s10  }
0x38: {  	s10 =	sld [smem:$0x3FB3]  }
0x39: {  	_ = 	snop;
	(pc) =	sbr.ind lr, $3  }
0x3a: {  	_ = 	snop  }
0x3b: {  	_ = 	snop  }
0x3c: {  	p2 =	seq.s32 s10, $0x1;
	s10 =	sld [smem:$0x3FB2]  }
0x3d: {  	_ =	shalt  }
0x3e: {  	_ =	shalt  }
0x3f: {  	_ =	shalt  }
0x40: {  	_ =	shalt  }
0x41: {  	_ =	shalt  }
0x42: {  	_ =	shalt  }
0x43: {  	_ =	shalt  }
0x44: {  	_ =	shalt  }
0x45: {  	_ =	shalt  }
0x46: {  	_ =	shalt  }
0x47: {  	_ =	shalt  }
0x48: {  	_ =	shalt  }
0x49: {  	_ =	shalt  }
0x4a: {  	_ =	shalt  }
0x4b: {  	_ =	shalt  }
0x4c: {  	_ =	shalt  }
0x4d: {  	_ =	shalt  }
0x4e: {  	_ =	shalt  }
0x4f: {  	_ =	shalt  }
0x50: {  	_ =	shalt  }
0x51: {  	_ =	shalt  }
0x52: {  	_ =	shalt  }
0x53: {  	_ =	shalt  }
0x54: {  	_ =	shalt  }
0x55: {  	_ =	shalt  }
0x56: {  	_ =	shalt  }
0x57: {  	_ =	shalt  }
0x58: {  	_ =	shalt  }
0x59: {  	_ =	shalt  }
0x5a: {  	_ =	shalt  }
0x5b: {  	_ =	shalt  }
0x5c: {  	_ =	shalt  }
0x5d: {  	_ =	shalt  }
0x5e: {  	_ =	shalt  }
0x5f: {  	_ =	shalt  }
0x60: {  	_ =	shalt  }
0x61: {  	_ =	shalt  }
0x62: {  	_ =	shalt  }
0x63: {  	_ =	shalt  }
0x64: {  	_ =	shalt  }
0x65: {  	_ =	shalt  }
0x66: {  	_ =	shalt  }
0x67: {  	_ =	shalt  }
0x68: {  	_ =	shalt  }
0x69: {  	_ =	shalt  }
0x6a: {  	_ =	shalt  }
0x6b: {  	_ =	shalt  }
0x6c: {  	_ =	shalt  }
0x6d: {  	_ =	shalt  }
0x6e: {  	_ =	shalt  }
0x6f: {  	_ =	shalt  }
0x70: {  	_ =	shalt  }
0x71: {  	_ =	shalt  }
0x72: {  	_ =	shalt  }
0x73: {  	_ =	shalt  }
0x74: {  	_ =	shalt  }
0x75: {  	_ =	shalt  }
0x76: {  	_ =	shalt  }
0x77: {  	_ =	shalt  }
0x78: {  	_ =	shalt  }
0x79: {  	_ =	shalt  }
0x7a: {  	_ =	shalt  }
0x7b: {  	_ =	shalt  }
0x7c: {  	_ =	shalt  }
0x7d: {  	_ =	shalt  }
0x7e: {  	_ =	shalt  }
0x7f: {  	_ =	shalt  }
0x80: {  	_ =	shalt  }
0x81: {  	_ =	shalt  }
0x82: {  	_ =	shalt  }
0x83: {  	_ =	shalt  }
0x84: {  	_ =	shalt  }
0x85: {  	_ =	shalt  }
0x86: {  	_ =	shalt  }
0x87: {  	_ =	shalt  }
.Lfunc_end0:
.L_simem_size_0:
called_computation.1_lowered:
.L_overlay_start_0:
0x88: {  	s2 =	sld [smem:$0x3FD9]  }
0x89: {  	s3 =	sld [smem:$0x3FFE];
	_ =	sdelay $0x1  }
0x8a: {  	s1 =	srdreg.scid  }
0x8b: {  	s0 =	sand.u32 $0x1, s1  }
0x8c: {  	s17 =	sshll.u32 s0, $0xA;
	s2 =	sadd.s32 s3, s2  }
0x8d: {  	s2 =	sadd.s32 s2, s17  }
0x8e: {  	[smem:$0x3FBE] =	sst s2  }
0x8f: {  	_ = 	snop  }
0x90: {  	s2 =	sld [smem:$0x3FD0];
	(tm) =	ssettm $0x1  }
0x91: {  	s18 =	sld [smem:$0x3FFB];
	_ =	sdelay $0x3  }
0x92: {  	_ =	strace s18  }
0x93: {  	s3 =	sld [smem:$0x3FFC];
	_ =	sdelay $0x3  }
0x94: {  	_ =	strace s3  }
0x95: {  	s3 =	sld [smem:$0x3FFD];
	_ =	sdelay $0x3  }
0x96: {  	_ =	strace s3  }
0x97: {  	_ =	strace $0x8FFFFFFF  }
0x98: {  	s19 =	sld [smem:$0x3FDB];
	_ =	sdelay $0x1  }
0x99: {  	s4 =	simm.s32 $_scs_section_size  }
0x9a: {  	s5 =	simm.s32 $_size__tile_overlayer_lowered;
	s6 =	simm.s32 $_tile_overlayer_lowered  }
0x9b: {  	s22 =	simm.s32 $0x1BFF;
	s21 =	sshll.u32 s6, $0x1;
	s3 =	sadd.s32 s4, s19  }
0x9c: {  	s7 =	simm.s32 $0x0;
	s20 =	sshll.u32 s5, $0x1;
	s5 =	sadd.s32 s21, s3  }
0x9d: {  	[timem:s7], [sflag:s22] =	dma.local [hbm:s5], s20  }
0x9e: {  	_ =	swait.ge [sflag:s22], s20  }
0x9f: {  	s4 =	ssub.s32 $0x0, s20;
	[sflag:s22] =	ssyncset.done $0x0  }
0xa0: {  	[sflag:s22] =	ssyncadd.s32 s4;
	_ =	sdelay $0x1  }
0xa1: {  	s23 =	simm.s32 $0x1B8B  }
0xa2: {  	_ =	swait.ge [sflag:s23], $0x1  }
0xa3: {  	[sflag:s23] =	ssyncset.done $0x0  }
0xa4: {  	s25 =	simm.s32 $0x1B8E;
	s24 =	sld [smem:$0x3FFE];
	[sflag:s23] =	ssyncadd.s32 $0xFFFFFFFF  }
0xa5: {  	s26 =	simm.s32 $execute0_lowered;
	[smem:$0x3FD2] =	sst s25  }
0xa6: {  	s5 =	sshll.u32 s26, $0x1;
	_ =	strace $0x80000046;
	[dreg:$0x1] =	wrdreg $0xFFFFFFFF  }
0xa7: {  	s28 =	simm.s32 $_size_execute0_lowered;
	s3 =	sadd.s32 s3, s5;
	[dreg:$0x0] =	wrdreg $0x0  }
0xa8: {  	s5 =	sshll.u32 s28, $0x1;
	[dreg:$0x2] =	wrdreg s3  }
0xa9: {  	[dreg:$0x3] =	wrdreg s5  }
0xaa: {  	[dreg:$0x4] =	wrdreg $0xC0  }
0xab: {  	_ =	task [dreg:s7], $0x5FFFF  }
0xac: {  	[dreg:$0x1] =	wrdreg $0xFFFFFFFF  }
0xad: {  	[dreg:$0x0] =	wrdreg $0x60  }
0xae: {  	[dreg:$0x2] =	wrdreg s24  }
0xaf: {  	[dreg:$0x3] =	wrdreg s2  }
0xb0: {  	[dreg:$0x4] =	wrdreg $0x120000  }
0xb1: {  	[dreg:$0x5] =	wrdreg $0xA  }
0xb2: {  	_ =	task.clear_ibuf [dreg:s7], $0x6FFFF;
	_ =	strace $0x90000046  }
0xb3: {  	s29 =	simm.s32 $0xA;
	_ =	strace $0x80000048  }
0xb4: {  	_ =	swait.ge [sflag:s29], $0x1  }
0xb5: {  	[sflag:s29] =	ssyncadd.s32 $0xFFFFFFFF  }
0xb6: {  	_ =	strace $0x90000048  }
0xb7: {  	_ =	sfence  }
0xb8: {  	s30 =	sld [smem:$0x0];
	_ =	sdelay $0x2  }
0xb9: {  	s31 =	sshll.u32 s1, $0xD;
	s1 =	sshrl.u32 s1, $0x2  }
0xba: {  	s3 =	sand.u32 $0x4000, s31;
	s1 =	sadd.s32 s1, s30  }
0xbb: {  	s0 =	sor.u32 s3, s0;
	s1 =	sshll.u32 s1, $0x11  }
0xbc: {  	s0 =	sor.u32 s1, s0  }
0xbd: {  	s0 =	sadd.s32 $0x8F2B, s0  }
0xbe: {  	[sflag:s0] =	ssyncadd.remote.s32 $0x1  }
0xbf: {  	_ =	sfence.sel $0xFFFF  }
0xc0: {  	[dreg:$0x0] =	wrdreg $0xFFFFFFFF;
	(pc) =	sbr.abs _section_cstart, $3  }
0xc1: {  	[dreg:$0x1] =	wrdreg $0xFFFFFFFF  }
0xc2: {  	_ =	task.clear_ibuf [dreg:s7], $0x2FFFF;
	_ =	strace $0x9FFFFFFF  }
0xc3: {  	(tm) =	ssettm $0x7FFFFFFF  }
tec
execute0_lowered:
.L_overlay_start_1:
0x0: {  	(tag) =	ssettag $0x1  }
0x1: {  	s0 =	rddreg [dreg:$0x0]  }
0x2: {  	s1 =	rddreg [dreg:$0x1]  }
0x3: {  	s2 =	rddreg [dreg:$0x2]  }
0x4: {  	s4 =	srdreg.scid;
	s9 =	stileid.u32  }
0x5: {  	s3 =	simm.s32 $0x0;
	s17 =	simm.s32 $0x9;
	s18 =	simm.s32 $0x5000  }
0x6: {  	s28 =	simm.s32 $0x1;
	s29 =	simm.s32 $0x2;
	s31 =	simm.s32 $0x3  }
0x7: {  	s20 =	simm.s32 $0x5;
	s30 =	simm.s32 $0x8;
	s6 =	smul.u32 $0x1400, s9  }
0x8: {  	s5 =	sand.u32 $0x1, s4;
	[smem:$0x7FF] =	sst s3;
	s21 =	smul.u32 $0x28000, s9  }
0x9: {  	s4 =	sadd.s32 $0xC000, s0;
	s15 =	sadd.s32 $0x2000, s0;
	s14 =	smul.u32 $0x5000, s9  }
0xa: {  	s7 =	smul.u32 $0x14000, s5;
	_ =	strace $0x80000047;
	s22 =	ssub.s32 $0x2, s5  }
0xb: {  	s13 =	smul.u32 $0x50000, s5;
	s8 =	sshrl.u32 s22, $0x1;
	s16 =	sadd.s32 $0x2800, s14  }
0xc: {  	s24 =	sshrl.u32 s14, $0x3;
	s6 =	sadd.s32 s6, s7;
	s7 =	sshrl.u32 s21, $0x2  }
0xd: {  	s8 =	ssub.s32 s22, s8;
	s23 =	sadd.s32 s13, s14;
	s25 =	sadd.s32 s13, s16  }
0xe: {  	s13 =	sadd.s32 s15, s24;
	s16 =	sshrl.u32 s16, $0x3;
	s21 =	simm.s32 $0x80  }
0xf: {  	s22 =	simm.s32 $0xC000;
	s24 =	simm.s32 $0xE000;
	s0 =	sadd.s32 s6, s0  }
0x10: {  	s5 =	sadd.s32 s7, s2;
	s7 =	smax.u32 s8, $0x1;
	s26 =	sshrl.u32 s25, $0x3  }
0x11: {  	s15 =	sadd.s32 s15, s16;
	s16 =	simm.s32 $0xA000;
	s25 =	simm.s32 $0x7  }
0x12: {  	s0 =	sadd.s32 $0x34000, s0;
	s8 =	sadd.s32 $0x2000, s5;
	s9 =	sadd.s32 $0x4000, s5  }
0x13: {  	s10 =	sadd.s32 $0x6000, s5;
	s11 =	sadd.s32 $0x8000, s5;
	s14 =	sadd.s32 s1, s26  }
0x14: {  	s26 =	simm.s32 $0x10000;
	[dreg:$0x4] =	wrdreg s0;
	s0 =	sshrl.u32 s23, $0x3  }
0x15: {  	v0 =	vimm.f32 $0.0e+00;
	s23 =	simm.s32 $0x6;
	s12 =	sadd.s32 s1, s0;
	s1 =	simm.s32 $0x4  }
.LBB2_1:
0x16: {  	s19 =	simm.s32 $0x100;
	s0 =	simm.s32 $0x0  }
.LBB2_2:
0x17: {  	p0 =	sne.s32 s19, $0x7F00;
	[tilespmem:s0+$0xA030] =	vst v0;
	s6 =	smov.u32 s19;
	s19 =	sadd.s32 $0x100, s19  }
.Ltmp0:
0x18: {  	[tilespmem:s0+$0xA020] =	vst v0;
	(pc) =	sbr.rel @p0 .LBB2_2-.Ltmp0, $3  }
0x19: {  	[tilespmem:s0+$0xA000] =	vst v0  }
0x1a: {  	[tilespmem:s0+$0xA010] =	vst v0;
	_ =	sdelay $0x1  }
0x1b: {  	s0 =	sshra.s32 s6, $0x2  }
0x1c: {  	[tilespmem:s0+$0xA030] =	vst v0  }
0x1d: {  	[tilespmem:s0+$0xA020] =	vst v0  }
0x1e: {  	[tilespmem:s0+$0xA000] =	vst v0  }
0x1f: {  	[tilespmem:s0+$0xA010] =	vst v0  }
0x20: {  	[spmem:s5] =	stream.linear.scatter [tilespmem:s16], [sflag:$0x9], $0x2000, $0x38;
	[tilespmem:$0x1C000] =	vst v63  }
0x21: {  	_ =	swait.ge [sflag:s17], $0x2000  }
0x22: {  	[sflag:s17] =	ssyncset.done $0x0  }
0x23: {  	[sflag:s17] =	ssyncadd.s32 $0xFFFFE000  }
0x24: {  	[spmem:s8] =	stream.linear.scatter [tilespmem:s16], [sflag:$0x9], $0x2000, $0x38;
	[tilespmem:$0x1C000] =	vst v63  }
0x25: {  	_ =	swait.ge [sflag:s17], $0x2000  }
0x26: {  	[sflag:s17] =	ssyncset.done $0x0  }
0x27: {  	[sflag:s17] =	ssyncadd.s32 $0xFFFFE000  }
0x28: {  	[spmem:s9] =	stream.linear.scatter [tilespmem:s16], [sflag:$0x9], $0x2000, $0x38;
	[tilespmem:$0x1C000] =	vst v63  }
0x29: {  	_ =	swait.ge [sflag:s17], $0x2000  }
0x2a: {  	[sflag:s17] =	ssyncset.done $0x0  }
0x2b: {  	[sflag:s17] =	ssyncadd.s32 $0xFFFFE000  }
0x2c: {  	[spmem:s10] =	stream.linear.scatter [tilespmem:s16], [sflag:$0x9], $0x2000, $0x38;
	[tilespmem:$0x1C000] =	vst v63  }
0x2d: {  	_ =	swait.ge [sflag:s17], $0x2000  }
0x2e: {  	[sflag:s17] =	ssyncset.done $0x0  }
0x2f: {  	[sflag:s17] =	ssyncadd.s32 $0xFFFFE000  }
0x30: {  	[spmem:s11] =	stream.linear.scatter [tilespmem:s16], [sflag:$0x9], $0x2000, $0x38;
	[tilespmem:$0x1C000] =	vst v63  }
0x31: {  	_ =	swait.ge [sflag:s17], $0x2000  }
0x32: {  	[sflag:s17] =	ssyncset.done $0x0  }
0x33: {  	[sflag:s17] =	ssyncadd.s32 $0xFFFFE000  }
0x34: {  	s0 =	simm.s32 $0x0;
	[bflag:$0x0] =	sbarrier.arrive $0xFFFF  }
0x35: {  	[tilespmem:s0], [sflag:$0x9] =	stream.linear.gather [hbm4b:s12+s0], $0x2800, $0x38;
	[tilespmem:$0x1C000] =	vst v63  }
0x36: {  	_ =	swait.ge [sflag:s17], $0x2800  }
0x37: {  	[sflag:s17] =	ssyncset.done $0x0  }
0x38: {  	[sflag:s17] =	ssyncadd.s32 $0xFFFFD800  }
0x39: {  	[tilespmem:s18], [sflag:$0x9] =	stream.linear.gather [hbm4b:s13+s0], $0x2800, $0x38;
	[tilespmem:$0x1C000] =	vst v63  }
0x3a: {  	_ =	swait.ge [sflag:s17], $0x2800  }
0x3b: {  	[sflag:s17] =	ssyncset.done $0x0  }
0x3c: {  	s6 =	simm.s32 $0x2800;
	[sflag:s17] =	ssyncadd.s32 $0xFFFFD800  }
0x3d: {  	[tilespmem:s6], [sflag:$0x9] =	stream.linear.gather [hbm4b:s14+s0], $0x2800, $0x38;
	[tilespmem:$0x1C000] =	vst v63  }
0x3e: {  	_ =	swait.ge [sflag:s17], $0x2800  }
0x3f: {  	[sflag:s17] =	ssyncset.done $0x0  }
0x40: {  	s19 =	simm.s32 $0x7800;
	[sflag:s17] =	ssyncadd.s32 $0xFFFFD800  }
0x41: {  	[tilespmem:s19], [sflag:$0x9] =	stream.linear.gather [hbm4b:s15+s0], $0x2800, $0x38;
	[tilespmem:$0x1C000] =	vst v63  }
0x42: {  	_ =	swait.ge [sflag:s17], $0x2800  }
0x43: {  	[sflag:s17] =	ssyncset.done $0x0  }
0x44: {  	[sflag:s17] =	ssyncadd.s32 $0xFFFFD800  }
0x45: {  	[tilespmem:s16], [sflag:$0x1] =	stream.indirect.gather [hbm4b:s4+s21], $0x40, s0, s21, $0xb8;
	[tilespmem:$0x1C000] =	vst v63  }
0x46: {  	_ = 	snop  }
0x47: {  	[tilespmem:s22], [sflag:$0x2] =	stream.indirect.gather [hbm4b:s4+s21], $0x40, s21, s21, $0xb8;
	[tilespmem:$0x1C000] =	vst v63  }
0x48: {  	s6 =	simm.s32 $0x100  }
0x49: {  	[tilespmem:s24], [sflag:$0x3] =	stream.indirect.gather [hbm4b:s4+s21], $0x40, s6, s21, $0xb8;
	[tilespmem:$0x1C000] =	vst v63  }
0x4a: {  	s19 =	simm.s32 $0x180  }
0x4b: {  	[tilespmem:s26], [sflag:$0x4] =	stream.indirect.gather [hbm4b:s4+s21], $0x40, s19, s21, $0xb8;
	[tilespmem:$0x1C000] =	vst v63  }
0x4c: {  	_ =	swait.ge [sflag:s28], $0x2000  }
0x4d: {  	[sflag:s28] =	ssyncset.done $0x0  }
0x4e: {  	[sflag:s28] =	ssyncadd.s32 $0xFFFFE000  }
0x4f: {  	[spmem:s2] =	stream.indirect.scatter.add.f32 [tilespmem:s16], [sflag:$0x5], $0x40, s18, s21, $0xb8;
	[tilespmem:$0x1C000] =	vst v63  }
0x50: {  	_ =	swait.ge [sflag:s29], $0x2000  }
0x51: {  	[sflag:s29] =	ssyncset.done $0x0  }
0x52: {  	s6 =	simm.s32 $0x5080;
	[sflag:s29] =	ssyncadd.s32 $0xFFFFE000  }
0x53: {  	[spmem:s2] =	stream.indirect.scatter.add.f32 [tilespmem:s22], [sflag:$0x6], $0x40, s6, s21, $0xb8;
	[tilespmem:$0x1C000] =	vst v63  }
0x54: {  	_ =	swait.ge [sflag:s31], $0x2000  }
0x55: {  	[sflag:s31] =	ssyncset.done $0x0  }
0x56: {  	s19 =	simm.s32 $0x5100;
	[sflag:s31] =	ssyncadd.s32 $0xFFFFE000  }
0x57: {  	[spmem:s2] =	stream.indirect.scatter.add.f32 [tilespmem:s24], [sflag:$0x7], $0x40, s19, s21, $0xb8;
	[tilespmem:$0x1C000] =	vst v63  }
0x58: {  	_ =	swait.ge [sflag:s1], $0x2000  }
0x59: {  	[sflag:s1] =	ssyncset.done $0x0  }
0x5a: {  	s6 =	simm.s32 $0x5180;
	[sflag:s1] =	ssyncadd.s32 $0xFFFFE000  }
0x5b: {  	[spmem:s2] =	stream.indirect.scatter.add.f32 [tilespmem:s26], [sflag:$0x8], $0x40, s6, s21, $0xb8;
	[tilespmem:$0x1C000] =	vst v63  }
0x5c: {  	_ =	swait.ge [sflag:s20], $0x2000  }
0x5d: {  	[sflag:s20] =	ssyncset.done $0x0  }
0x5e: {  	s19 =	simm.s32 $0x200;
	[sflag:s20] =	ssyncadd.s32 $0xFFFFE000  }
0x5f: {  	[tilespmem:s16], [sflag:$0x1] =	stream.indirect.gather [hbm4b:s4+s21], $0x40, s19, s21, $0xb8;
	[tilespmem:$0x1C000] =	vst v63  }
0x60: {  	_ =	swait.ge [sflag:s23], $0x2000  }
0x61: {  	[sflag:s23] =	ssyncset.done $0x0  }
0x62: {  	s6 =	simm.s32 $0x280;
	[sflag:s23] =	ssyncadd.s32 $0xFFFFE000  }
0x63: {  	[tilespmem:s22], [sflag:$0x2] =	stream.indirect.gather [hbm4b:s4+s21], $0x40, s6, s21, $0xb8;
	[tilespmem:$0x1C000] =	vst v63  }
0x64: {  	_ =	swait.ge [sflag:s25], $0x2000  }
0x65: {  	[sflag:s25] =	ssyncset.done $0x0  }
0x66: {  	s19 =	simm.s32 $0x300;
	[sflag:s25] =	ssyncadd.s32 $0xFFFFE000  }
0x67: {  	[tilespmem:s24], [sflag:$0x3] =	stream.indirect.gather [hbm4b:s4+s21], $0x40, s19, s21, $0xb8;
	[tilespmem:$0x1C000] =	vst v63  }
0x68: {  	_ =	swait.ge [sflag:s30], $0x2000  }
0x69: {  	[sflag:s30] =	ssyncset.done $0x0  }
0x6a: {  	s6 =	simm.s32 $0x380;
	[sflag:s30] =	ssyncadd.s32 $0xFFFFE000  }
0x6b: {  	[tilespmem:s26], [sflag:$0x4] =	stream.indirect.gather [hbm4b:s4+s21], $0x40, s6, s21, $0xb8;
	[tilespmem:$0x1C000] =	vst v63  }
0x6c: {  	_ =	swait.ge [sflag:s28], $0x2000  }
0x6d: {  	[sflag:s28] =	ssyncset.done $0x0  }
0x6e: {  	s19 =	simm.s32 $0x5200;
	[sflag:s28] =	ssyncadd.s32 $0xFFFFE000  }
0x6f: {  	[spmem:s2] =	stream.indirect.scatter.add.f32 [tilespmem:s16], [sflag:$0x5], $0x40, s19, s21, $0xb8;
	[tilespmem:$0x1C000] =	vst v63  }
0x70: {  	_ =	swait.ge [sflag:s29], $0x2000  }
0x71: {  	[sflag:s29] =	ssyncset.done $0x0  }
0x72: {  	s6 =	simm.s32 $0x5280;
	[sflag:s29] =	ssyncadd.s32 $0xFFFFE000  }
0x73: {  	[spmem:s2] =	stream.indirect.scatter.add.f32 [tilespmem:s22], [sflag:$0x6], $0x40, s6, s21, $0xb8;
	[tilespmem:$0x1C000] =	vst v63  }
0x74: {  	_ =	swait.ge [sflag:s31], $0x2000  }
0x75: {  	[sflag:s31] =	ssyncset.done $0x0  }
0x76: {  	s19 =	simm.s32 $0x5300;
	[sflag:s31] =	ssyncadd.s32 $0xFFFFE000  }
0x77: {  	[spmem:s2] =	stream.indirect.scatter.add.f32 [tilespmem:s24], [sflag:$0x7], $0x40, s19, s21, $0xb8;
	[tilespmem:$0x1C000] =	vst v63  }
0x78: {  	_ =	swait.ge [sflag:s1], $0x2000  }
0x79: {  	[sflag:s1] =	ssyncset.done $0x0  }
0x7a: {  	s0 =	simm.s32 $0x800;
	s19 =	simm.s32 $0x5380;
	[sflag:s1] =	ssyncadd.s32 $0xFFFFE000  }
.LBB2_4:
0x7b: {  	[spmem:s2] =	stream.indirect.scatter.add.f32 [tilespmem:s26], [sflag:$0x8], $0x40, s19, s21, $0xb8;
	[tilespmem:$0x1C000] =	vst v63  }
0x7c: {  	s6 =	smov.u32 s0  }
0x7d: {  	p0 =	sne.s32 s0, $0x13000;
	s0 =	sadd.s32 $0x800, s0;
	_ =	swait.ge [sflag:s20], $0x2000  }
0x7e: {  	s19 =	sshra.s32 s6, $0x2;
	[sflag:s20] =	ssyncset.done $0x0  }
0x7f: {  	s6 =	sadd.s32 $0x200, s19;
	[sflag:s20] =	ssyncadd.s32 $0xFFFFE000  }
0x80: {  	[tilespmem:s16], [sflag:$0x1] =	stream.indirect.gather [hbm4b:s4+s21], $0x40, s6, s21, $0xb8;
	[tilespmem:$0x1C000] =	vst v63  }
0x81: {  	_ =	swait.ge [sflag:s23], $0x2000  }
0x82: {  	[sflag:s23] =	ssyncset.done $0x0  }
0x83: {  	s6 =	sadd.s32 $0x280, s19;
	[sflag:s23] =	ssyncadd.s32 $0xFFFFE000  }
0x84: {  	[tilespmem:s22], [sflag:$0x2] =	stream.indirect.gather [hbm4b:s4+s21], $0x40, s6, s21, $0xb8;
	[tilespmem:$0x1C000] =	vst v63  }
0x85: {  	_ =	swait.ge [sflag:s25], $0x2000  }
0x86: {  	[sflag:s25] =	ssyncset.done $0x0  }
0x87: {  	s6 =	sadd.s32 $0x300, s19;
	[sflag:s25] =	ssyncadd.s32 $0xFFFFE000  }
0x88: {  	[tilespmem:s24], [sflag:$0x3] =	stream.indirect.gather [hbm4b:s4+s21], $0x40, s6, s21, $0xb8;
	[tilespmem:$0x1C000] =	vst v63  }
0x89: {  	_ =	swait.ge [sflag:s30], $0x2000  }
0x8a: {  	[sflag:s30] =	ssyncset.done $0x0  }
0x8b: {  	s6 =	sadd.s32 $0x380, s19;
	[sflag:s30] =	ssyncadd.s32 $0xFFFFE000  }
0x8c: {  	[tilespmem:s26], [sflag:$0x4] =	stream.indirect.gather [hbm4b:s4+s21], $0x40, s6, s21, $0xb8;
	[tilespmem:$0x1C000] =	vst v63  }
0x8d: {  	_ =	swait.ge [sflag:s28], $0x2000  }
0x8e: {  	[sflag:s28] =	ssyncset.done $0x0  }
0x8f: {  	s6 =	sadd.s32 $0x5200, s19;
	[sflag:s28] =	ssyncadd.s32 $0xFFFFE000  }
0x90: {  	[spmem:s2] =	stream.indirect.scatter.add.f32 [tilespmem:s16], [sflag:$0x5], $0x40, s6, s21, $0xb8;
	[tilespmem:$0x1C000] =	vst v63  }
0x91: {  	_ =	swait.ge [sflag:s29], $0x2000  }
0x92: {  	[sflag:s29] =	ssyncset.done $0x0  }
0x93: {  	s6 =	sadd.s32 $0x5280, s19;
	[sflag:s29] =	ssyncadd.s32 $0xFFFFE000  }
0x94: {  	[spmem:s2] =	stream.indirect.scatter.add.f32 [tilespmem:s22], [sflag:$0x6], $0x40, s6, s21, $0xb8;
	[tilespmem:$0x1C000] =	vst v63  }
0x95: {  	_ =	swait.ge [sflag:s31], $0x2000  }
0x96: {  	[sflag:s31] =	ssyncset.done $0x0  }
.Ltmp1:
0x97: {  	s6 =	sadd.s32 $0x5300, s19;
	[sflag:s31] =	ssyncadd.s32 $0xFFFFE000;
	(pc) =	sbr.rel @p0 .LBB2_4-.Ltmp1, $4  }
0x98: {  	[spmem:s2] =	stream.indirect.scatter.add.f32 [tilespmem:s24], [sflag:$0x7], $0x40, s6, s21, $0xb8;
	[tilespmem:$0x1C000] =	vst v63  }
0x99: {  	_ =	swait.ge [sflag:s1], $0x2000  }
0x9a: {  	[sflag:s1] =	ssyncset.done $0x0  }
0x9b: {  	s19 =	sadd.s32 $0x5380, s19;
	[sflag:s1] =	ssyncadd.s32 $0xFFFFE000  }
0x9c: {  	[spmem:s2] =	stream.indirect.scatter.add.f32 [tilespmem:s26], [sflag:$0x8], $0x40, s19, s21, $0xb8;
	[tilespmem:$0x1C000] =	vst v63  }
0x9d: {  	_ =	swait.ge [sflag:s20], $0x2000  }
0x9e: {  	[sflag:s20] =	ssyncset.done $0x0  }
0x9f: {  	[sflag:s20] =	ssyncadd.s32 $0xFFFFE000  }
0xa0: {  	_ =	swait.ge [sflag:s23], $0x2000  }
0xa1: {  	[sflag:s23] =	ssyncset.done $0x0  }
0xa2: {  	[sflag:s23] =	ssyncadd.s32 $0xFFFFE000  }
0xa3: {  	_ =	swait.ge [sflag:s25], $0x2000  }
0xa4: {  	[sflag:s25] =	ssyncset.done $0x0  }
0xa5: {  	[sflag:s25] =	ssyncadd.s32 $0xFFFFE000  }
0xa6: {  	_ =	swait.ge [sflag:s30], $0x2000  }
0xa7: {  	s0 =	stileid.u32;
	[sflag:s30] =	ssyncset.done $0x0  }
0xa8: {  	s6 =	sshrl.u32 s5, $0x3;
	s3 =	sadd.s32 $0x1, s3;
	[sflag:s30] =	ssyncadd.s32 $0xFFFFE000  }
0xa9: {  	s0 =	sshll.u32 s0, $0x6;
	p0 =	sne.s32 s3, s7;
	[bflag:$0x0] =	sbarrier.arrive $0xFFFF  }
.Ltmp2:
0xaa: {  	s0 =	sor.u32 $0x1C09, s0;
	s19 =	rddreg [dreg:$0x4];
	(pc) =	sbr.rel @p0 .LBB2_1-.Ltmp2, $4  }
0xab: {  	[hbm:s19], [sflag:s0] =	dma.local [spmem:s6], $0x1400  }
0xac: {  	_ =	swait.ge [sflag:s17], $0x1400  }
0xad: {  	[sflag:s17] =	ssyncset.done $0x0  }
0xae: {  	[sflag:s17] =	ssyncadd.s32 $0xFFFFEC00  }
0xaf: {  	_ =	sfence.sel $0x180000  }
0xb0: {  	[bflag:$0x0] =	sbarrier.arrive $0xFFFF  }
0xb1: {  	_ =	strace $0x90000047  }
0xb2: {  	s0 =	stileid.u32;
	[bflag:$0x2] =	sbarrier.arrive $0xFFFF  }
0xb3: {  	p0 =	sne.s32 s0, $0x0;
	s0 =	rddreg [dreg:$0x3]  }
0xb4: {  	s0 =	sadd.s32 @!p0 $0x100000, s0  }
0xb5: {  	[sflag:s0] =	ssyncadd.tile.s32 @!p0 $0x1;
	_ =	shalt  }
.Lfunc_end2:
_tile_overlayer_lowered:
.L_overlay_start_2:
0xb6: {  	(tag) =	ssettag $0x2  }
0xb7: {  	s0 =	rddreg [dreg:$0x0];
	s2 =	stileid.u32  }
0xb8: {  	s1 =	rddreg [dreg:$0x1];
	p0 =	sne.s32 s2, $0x0  }
0xb9: {  	s3 =	rddreg [dreg:$0x2];
	[bflag:$0x3] =	sbarrier.arrive $0xFFFF;
	s2 =	simm.s32 @!p0 $0x1C09  }
0xba: {  	[timem:s3], [sflag:s2] =	dma.local @!p0 [hbm:s0], s1  }
0xbb: {  	s0 =	simm.s32 @!p0 $0x9  }
0xbc: {  	_ =	swait.ge @!p0 [sflag:s0], s1  }
0xbd: {  	s1 =	ssub.s32 @!p0 $0x0, s1;
	[sflag:s0] =	ssyncset.done @!p0 $0x0  }
0xbe: {  	[sflag:s0] =	ssyncadd.s32 @!p0 s1  }
0xbf: {  	[bflag:$0x3] =	sbarrier.arrive $0xFFFF  }
0xc0: {  	_ =	shalt  }

// kernel: kernel.14.cloned.1.call-start
scs
__scs_entry_jumppad:
0x0: {  	(pc) =	sbr.rel $0x88, $3  }
0x1: {  	(tag) =	ssettag $0x0;
	lr =	simm.s32 $0x1  }
0x2: {  	[smem:$0x3F97] =	sst lr;
	_ =	strace $0xD0000000  }
0x3: {  	_ = 	snop  }
0x4: {  	_ = 	snop  }
0x5: {  	_ = 	snop  }
0x6: {  	_ = 	snop  }
0x7: {  	_ = 	snop  }
__scs_overlays_trampoline_lowered:
0x8: {  	[smem:$0x3FA6] =	sst s0  }
0x9: {  	[smem:$0x3FA7] =	sst s1  }
0xa: {  	[smem:$0x3FA8] =	sst s2  }
0xb: {  	[smem:$0x3FA9] =	sst s3  }
0xc: {  	[smem:$0x3FAA] =	sst s4  }
0xd: {  	[smem:$0x3FAB] =	sst s5  }
0xe: {  	[smem:$0x3FAC] =	sst s6  }
0xf: {  	[smem:$0x3FAD] =	sst s7  }
0x10: {  	[smem:$0x3FAE] =	sst s8  }
0x11: {  	[smem:$0x3FAF] =	sst s9;
	s0 =	simm.s32 @!p0 $0x0  }
0x12: {  	s1 =	sld [smem:$0x3F95];
	s0 =	simm.s32 @p0 $0x1  }
0x13: {  	[smem:$0x3FB0] =	sst s0;
	s0 =	simm.s32 @!p1 $0x0  }
0x14: {  	s2 =	sld [smem:$0x3F94];
	s0 =	simm.s32 @p1 $0x1  }
0x15: {  	[smem:$0x3FB1] =	sst s0;
	s0 =	simm.s32 @!p2 $0x0  }
0x16: {  	s3 =	sld [smem:$0x3FDB];
	s0 =	simm.s32 @p2 $0x1  }
0x17: {  	s4 =	simm.s32 $0x1BF5;
	[smem:$0x3FB3] =	sst s0  }
0x18: {  	s0 =	sld [smem:$0x3F96];
	_ =	swait.ge [sflag:s4], $0x0  }
0x19: {  	s7 =	sld [smem:$0x3F97]  }
0x1a: {  	s8 =	sadd.s32 $0xFFFFE003, lr  }
0x1b: {  	s9 =	sadd.s32 $0xFFFFFEF7, lr;
	s5 =	simm.s32 $0xFFFFFFFF;
	p2 =	slt.u32 s8, $0xFFFFF086  }
0x1c: {  	p1 =	slt.u32 s9, $0xF7A;
	s5 =	simm.s32 @!p2 $0x0  }
0x1d: {  	s5 =	simm.s32 @p1 $0x1;
	p0 =	seq.s32 s7, s2  }
0x1e: {  	s7 =	smul.u32 @!p0 $0xF7A, s2;
	p2 =	seq.s32 @!p0 s5, $0x0  }
0x1f: {  	s9 =	smul.u32 $0xF7A, s1;
	s8 =	simm.s32 @!p0 $0x1BF5;
	p2 =	por !p2, p0  }
0x20: {  	[sflag:s8] =	ssyncset.s32 @!p0 $0xFFFFF086;
	s6 =	sadd.s32 @!p0 s3, s7;
	s7 =	simm.s32 @!p0 $0x108  }
0x21: {  	s3 =	sadd.s32 s3, s9;
	s6 =	sadd.s32 @!p0 $0x88, s6;
	s7 =	simm.s32 @p2 $0x1082  }
0x22: {  	[simem:s7], [sflag:s8] =	dma.local @!p0 [hbm:s6], $0xF7A  }
0x23: {  	s9 =	sor.u32 $0xD0000000, s2;
	s6 =	simm.s32 $0x108;
	_ =	swait.ge @!p0 [sflag:s8], $0x0  }
0x24: {  	s3 =	sadd.s32 $0x88, s3;
	s6 =	simm.s32 @!p1 $0x1082;
	[sflag:s4] =	ssyncset.s32 $0xFFFFF086  }
0x25: {  	[simem:s6], [sflag:s4] =	dma.local [hbm:s3], $0xF7A  }
0x26: {  	[smem:$0x3F97] =	sst s1;
	(tag) =	ssettag s2;
	_ =	strace s9  }
0x27: {  	s1 =	sld [smem:$0x3FA7]  }
0x28: {  	s2 =	sld [smem:$0x3FA8]  }
0x29: {  	s4 =	sld [smem:$0x3FAA]  }
0x2a: {  	p0 =	seq.s32 s5, $0x0;
	s5 =	sld [smem:$0x3FAB]  }
0x2b: {  	s6 =	sld [smem:$0x3FAC]  }
0x2c: {  	s7 =	sld [smem:$0x3FAD]  }
0x2d: {  	s3 =	simm.s32 $0x108;
	s8 =	sld [smem:$0x3FAE]  }
0x2e: {  	s3 =	simm.s32 @!p0 $0x1082;
	s9 =	sld [smem:$0x3FAF]  }
0x2f: {  	lr =	sadd.s32 s0, s3;
	s0 =	sld [smem:$0x3FA6]  }
0x30: {  	s3 =	sld [smem:$0x3FA9]  }
0x31: {  	[smem:$0x3FB2] =	sst s10  }
0x32: {  	s10 =	sld [smem:$0x3FB0];
	_ =	sdelay $0x3  }
0x33: {  	p0 =	seq.s32 s10, $0x1;
	s10 =	sld [smem:$0x3FB2];
	_ =	sdelay $0x3  }
0x34: {  	[smem:$0x3FB2] =	sst s10  }
0x35: {  	s10 =	sld [smem:$0x3FB1];
	_ =	sdelay $0x3  }
0x36: {  	p1 =	seq.s32 s10, $0x1;
	s10 =	sld [smem:$0x3FB2];
	_ =	sdelay $0x3  }
0x37: {  	[smem:$0x3FB2] =	sst s10  }
0x38: {  	s10 =	sld [smem:$0x3FB3]  }
0x39: {  	_ = 	snop;
	(pc) =	sbr.ind lr, $3  }
0x3a: {  	_ = 	snop  }
0x3b: {  	_ = 	snop  }
0x3c: {  	p2 =	seq.s32 s10, $0x1;
	s10 =	sld [smem:$0x3FB2]  }
0x3d: {  	_ =	shalt  }
0x3e: {  	_ =	shalt  }
0x3f: {  	_ =	shalt  }
0x40: {  	_ =	shalt  }
0x41: {  	_ =	shalt  }
0x42: {  	_ =	shalt  }
0x43: {  	_ =	shalt  }
0x44: {  	_ =	shalt  }
0x45: {  	_ =	shalt  }
0x46: {  	_ =	shalt  }
0x47: {  	_ =	shalt  }
0x48: {  	_ =	shalt  }
0x49: {  	_ =	shalt  }
0x4a: {  	_ =	shalt  }
0x4b: {  	_ =	shalt  }
0x4c: {  	_ =	shalt  }
0x4d: {  	_ =	shalt  }
0x4e: {  	_ =	shalt  }
0x4f: {  	_ =	shalt  }
0x50: {  	_ =	shalt  }
0x51: {  	_ =	shalt  }
0x52: {  	_ =	shalt  }
0x53: {  	_ =	shalt  }
0x54: {  	_ =	shalt  }
0x55: {  	_ =	shalt  }
0x56: {  	_ =	shalt  }
0x57: {  	_ =	shalt  }
0x58: {  	_ =	shalt  }
0x59: {  	_ =	shalt  }
0x5a: {  	_ =	shalt  }
0x5b: {  	_ =	shalt  }
0x5c: {  	_ =	shalt  }
0x5d: {  	_ =	shalt  }
0x5e: {  	_ =	shalt  }
0x5f: {  	_ =	shalt  }
0x60: {  	_ =	shalt  }
0x61: {  	_ =	shalt  }
0x62: {  	_ =	shalt  }
0x63: {  	_ =	shalt  }
0x64: {  	_ =	shalt  }
0x65: {  	_ =	shalt  }
0x66: {  	_ =	shalt  }
0x67: {  	_ =	shalt  }
0x68: {  	_ =	shalt  }
0x69: {  	_ =	shalt  }
0x6a: {  	_ =	shalt  }
0x6b: {  	_ =	shalt  }
0x6c: {  	_ =	shalt  }
0x6d: {  	_ =	shalt  }
0x6e: {  	_ =	shalt  }
0x6f: {  	_ =	shalt  }
0x70: {  	_ =	shalt  }
0x71: {  	_ =	shalt  }
0x72: {  	_ =	shalt  }
0x73: {  	_ =	shalt  }
0x74: {  	_ =	shalt  }
0x75: {  	_ =	shalt  }
0x76: {  	_ =	shalt  }
0x77: {  	_ =	shalt  }
0x78: {  	_ =	shalt  }
0x79: {  	_ =	shalt  }
0x7a: {  	_ =	shalt  }
0x7b: {  	_ =	shalt  }
0x7c: {  	_ =	shalt  }
0x7d: {  	_ =	shalt  }
0x7e: {  	_ =	shalt  }
0x7f: {  	_ =	shalt  }
0x80: {  	_ =	shalt  }
0x81: {  	_ =	shalt  }
0x82: {  	_ =	shalt  }
0x83: {  	_ =	shalt  }
0x84: {  	_ =	shalt  }
0x85: {  	_ =	shalt  }
0x86: {  	_ =	shalt  }
0x87: {  	_ =	shalt  }
.Lfunc_end0:
.L_simem_size_0:
called_computation.2_lowered:
.L_overlay_start_0:
0x88: {  	s2 =	sld [smem:$0x3FD9]  }
0x89: {  	s3 =	sld [smem:$0x3FFE];
	_ =	sdelay $0x1  }
0x8a: {  	s1 =	srdreg.scid  }
0x8b: {  	s0 =	sand.u32 $0x1, s1  }
0x8c: {  	s17 =	sshll.u32 s0, $0xA;
	s2 =	sadd.s32 s3, s2  }
0x8d: {  	s2 =	sadd.s32 s2, s17  }
0x8e: {  	[smem:$0x3FBE] =	sst s2  }
0x8f: {  	_ = 	snop  }
0x90: {  	s2 =	sld [smem:$0x3FD0];
	(tm) =	ssettm $0x1  }
0x91: {  	s18 =	sld [smem:$0x3FFB];
	_ =	sdelay $0x3  }
0x92: {  	_ =	strace s18  }
0x93: {  	s3 =	sld [smem:$0x3FFC];
	_ =	sdelay $0x3  }
0x94: {  	_ =	strace s3  }
0x95: {  	s3 =	sld [smem:$0x3FFD];
	_ =	sdelay $0x3  }
0x96: {  	_ =	strace s3  }
0x97: {  	_ =	strace $0x8FFFFFFF  }
0x98: {  	s19 =	sld [smem:$0x3FDB];
	_ =	sdelay $0x1  }
0x99: {  	s4 =	simm.s32 $_scs_section_size  }
0x9a: {  	s5 =	simm.s32 $_size__tile_overlayer_lowered;
	s6 =	simm.s32 $_tile_overlayer_lowered  }
0x9b: {  	s22 =	simm.s32 $0x1BFF;
	s21 =	sshll.u32 s6, $0x1;
	s3 =	sadd.s32 s4, s19  }
0x9c: {  	s7 =	simm.s32 $0x0;
	s20 =	sshll.u32 s5, $0x1;
	s5 =	sadd.s32 s21, s3  }
0x9d: {  	[timem:s7], [sflag:s22] =	dma.local [hbm:s5], s20  }
0x9e: {  	_ =	swait.ge [sflag:s22], s20  }
0x9f: {  	s4 =	ssub.s32 $0x0, s20;
	[sflag:s22] =	ssyncset.done $0x0  }
0xa0: {  	[sflag:s22] =	ssyncadd.s32 s4;
	_ =	sdelay $0x1  }
0xa1: {  	s23 =	simm.s32 $0x1B8B  }
0xa2: {  	_ =	swait.ge [sflag:s23], $0x1  }
0xa3: {  	[sflag:s23] =	ssyncset.done $0x0  }
0xa4: {  	s25 =	simm.s32 $0x1B8E;
	s24 =	sld [smem:$0x3FFE];
	[sflag:s23] =	ssyncadd.s32 $0xFFFFFFFF  }
0xa5: {  	s26 =	simm.s32 $execute0_lowered;
	[smem:$0x3FD2] =	sst s25  }
0xa6: {  	s5 =	sshll.u32 s26, $0x1;
	_ =	strace $0x8000004C;
	[dreg:$0x1] =	wrdreg $0xFFFFFFFF  }
0xa7: {  	s28 =	simm.s32 $_size_execute0_lowered;
	s3 =	sadd.s32 s3, s5;
	[dreg:$0x0] =	wrdreg $0x0  }
0xa8: {  	s5 =	sshll.u32 s28, $0x1;
	[dreg:$0x2] =	wrdreg s3  }
0xa9: {  	[dreg:$0x3] =	wrdreg s5  }
0xaa: {  	[dreg:$0x4] =	wrdreg $0xC0  }
0xab: {  	_ =	task [dreg:s7], $0x5FFFF  }
0xac: {  	[dreg:$0x1] =	wrdreg $0xFFFFFFFF  }
0xad: {  	[dreg:$0x0] =	wrdreg $0x60  }
0xae: {  	[dreg:$0x2] =	wrdreg s24  }
0xaf: {  	[dreg:$0x3] =	wrdreg s2  }
0xb0: {  	[dreg:$0x4] =	wrdreg $0x120000  }
0xb1: {  	[dreg:$0x5] =	wrdreg $0x9  }
0xb2: {  	_ =	task.clear_ibuf [dreg:s7], $0x6FFFF;
	_ =	strace $0x9000004C  }
0xb3: {  	s29 =	simm.s32 $0x9;
	_ =	strace $0x8000004E  }
0xb4: {  	_ =	swait.ge [sflag:s29], $0x1  }
0xb5: {  	[sflag:s29] =	ssyncadd.s32 $0xFFFFFFFF  }
0xb6: {  	_ =	strace $0x9000004E  }
0xb7: {  	_ =	sfence  }
0xb8: {  	s30 =	sld [smem:$0x0];
	_ =	sdelay $0x2  }
0xb9: {  	s31 =	sshll.u32 s1, $0xD;
	s1 =	sshrl.u32 s1, $0x2  }
0xba: {  	s3 =	sand.u32 $0x4000, s31;
	s1 =	sadd.s32 s1, s30  }
0xbb: {  	s0 =	sor.u32 s3, s0;
	s1 =	sshll.u32 s1, $0x11  }
0xbc: {  	s0 =	sor.u32 s1, s0  }
0xbd: {  	s0 =	sadd.s32 $0x8F2B, s0  }
0xbe: {  	[sflag:s0] =	ssyncadd.remote.s32 $0x1  }
0xbf: {  	_ =	sfence.sel $0xFFFF  }
0xc0: {  	[dreg:$0x0] =	wrdreg $0xFFFFFFFF;
	(pc) =	sbr.abs _section_cstart, $3  }
0xc1: {  	[dreg:$0x1] =	wrdreg $0xFFFFFFFF  }
0xc2: {  	_ =	task.clear_ibuf [dreg:s7], $0x2FFFF;
	_ =	strace $0x9FFFFFFF  }
0xc3: {  	(tm) =	ssettm $0x7FFFFFFF  }
tec
execute0_lowered:
.L_overlay_start_1:
0x0: {  	(tag) =	ssettag $0x1  }
0x1: {  	s0 =	rddreg [dreg:$0x0]  }
0x2: {  	s1 =	rddreg [dreg:$0x1]  }
0x3: {  	s2 =	rddreg [dreg:$0x2]  }
0x4: {  	s4 =	srdreg.scid;
	s9 =	stileid.u32  }
0x5: {  	s3 =	simm.s32 $0x0;
	s17 =	simm.s32 $0x9;
	s18 =	simm.s32 $0x5000  }
0x6: {  	s28 =	simm.s32 $0x1;
	s29 =	simm.s32 $0x2;
	s31 =	simm.s32 $0x3  }
0x7: {  	s20 =	simm.s32 $0x5;
	s30 =	simm.s32 $0x8;
	s6 =	smul.u32 $0x1400, s9  }
0x8: {  	s5 =	sand.u32 $0x1, s4;
	[smem:$0x7FF] =	sst s3;
	s21 =	smul.u32 $0x28000, s9  }
0x9: {  	s4 =	sadd.s32 $0xC000, s0;
	s15 =	sadd.s32 $0x2000, s0;
	s14 =	smul.u32 $0x5000, s9  }
0xa: {  	s7 =	smul.u32 $0x14000, s5;
	_ =	strace $0x8000004D;
	s22 =	ssub.s32 $0x2, s5  }
0xb: {  	s13 =	smul.u32 $0x50000, s5;
	s8 =	sshrl.u32 s22, $0x1;
	s16 =	sadd.s32 $0x2800, s14  }
0xc: {  	s24 =	sshrl.u32 s14, $0x3;
	s6 =	sadd.s32 s6, s7;
	s7 =	sshrl.u32 s21, $0x2  }
0xd: {  	s8 =	ssub.s32 s22, s8;
	s23 =	sadd.s32 s13, s14;
	s25 =	sadd.s32 s13, s16  }
0xe: {  	s13 =	sadd.s32 s15, s24;
	s16 =	sshrl.u32 s16, $0x3;
	s21 =	simm.s32 $0x80  }
0xf: {  	s22 =	simm.s32 $0xC000;
	s24 =	simm.s32 $0xE000;
	s0 =	sadd.s32 s6, s0  }
0x10: {  	s5 =	sadd.s32 s7, s2;
	s7 =	smax.u32 s8, $0x1;
	s26 =	sshrl.u32 s25, $0x3  }
0x11: {  	s15 =	sadd.s32 s15, s16;
	s16 =	simm.s32 $0xA000;
	s25 =	simm.s32 $0x7  }
0x12: {  	s0 =	sadd.s32 $0x34000, s0;
	s8 =	sadd.s32 $0x2000, s5;
	s9 =	sadd.s32 $0x4000, s5  }
0x13: {  	s10 =	sadd.s32 $0x6000, s5;
	s11 =	sadd.s32 $0x8000, s5;
	s14 =	sadd.s32 s1, s26  }
0x14: {  	s26 =	simm.s32 $0x10000;
	[dreg:$0x4] =	wrdreg s0;
	s0 =	sshrl.u32 s23, $0x3  }
0x15: {  	v0 =	vimm.f32 $0.0e+00;
	s23 =	simm.s32 $0x6;
	s12 =	sadd.s32 s1, s0;
	s1 =	simm.s32 $0x4  }
.LBB2_1:
0x16: {  	s19 =	simm.s32 $0x100;
	s0 =	simm.s32 $0x0  }
.LBB2_2:
0x17: {  	p0 =	sne.s32 s19, $0x7F00;
	[tilespmem:s0+$0xA030] =	vst v0;
	s6 =	smov.u32 s19;
	s19 =	sadd.s32 $0x100, s19  }
.Ltmp0:
0x18: {  	[tilespmem:s0+$0xA020] =	vst v0;
	(pc) =	sbr.rel @p0 .LBB2_2-.Ltmp0, $3  }
0x19: {  	[tilespmem:s0+$0xA000] =	vst v0  }
0x1a: {  	[tilespmem:s0+$0xA010] =	vst v0;
	_ =	sdelay $0x1  }
0x1b: {  	s0 =	sshra.s32 s6, $0x2  }
0x1c: {  	[tilespmem:s0+$0xA030] =	vst v0  }
0x1d: {  	[tilespmem:s0+$0xA020] =	vst v0  }
0x1e: {  	[tilespmem:s0+$0xA000] =	vst v0  }
0x1f: {  	[tilespmem:s0+$0xA010] =	vst v0  }
0x20: {  	[spmem:s5] =	stream.linear.scatter [tilespmem:s16], [sflag:$0x9], $0x2000, $0x38;
	[tilespmem:$0x1C000] =	vst v63  }
0x21: {  	_ =	swait.ge [sflag:s17], $0x2000  }
0x22: {  	[sflag:s17] =	ssyncset.done $0x0  }
0x23: {  	[sflag:s17] =	ssyncadd.s32 $0xFFFFE000  }
0x24: {  	[spmem:s8] =	stream.linear.scatter [tilespmem:s16], [sflag:$0x9], $0x2000, $0x38;
	[tilespmem:$0x1C000] =	vst v63  }
0x25: {  	_ =	swait.ge [sflag:s17], $0x2000  }
0x26: {  	[sflag:s17] =	ssyncset.done $0x0  }
0x27: {  	[sflag:s17] =	ssyncadd.s32 $0xFFFFE000  }
0x28: {  	[spmem:s9] =	stream.linear.scatter [tilespmem:s16], [sflag:$0x9], $0x2000, $0x38;
	[tilespmem:$0x1C000] =	vst v63  }
0x29: {  	_ =	swait.ge [sflag:s17], $0x2000  }
0x2a: {  	[sflag:s17] =	ssyncset.done $0x0  }
0x2b: {  	[sflag:s17] =	ssyncadd.s32 $0xFFFFE000  }
0x2c: {  	[spmem:s10] =	stream.linear.scatter [tilespmem:s16], [sflag:$0x9], $0x2000, $0x38;
	[tilespmem:$0x1C000] =	vst v63  }
0x2d: {  	_ =	swait.ge [sflag:s17], $0x2000  }
0x2e: {  	[sflag:s17] =	ssyncset.done $0x0  }
0x2f: {  	[sflag:s17] =	ssyncadd.s32 $0xFFFFE000  }
0x30: {  	[spmem:s11] =	stream.linear.scatter [tilespmem:s16], [sflag:$0x9], $0x2000, $0x38;
	[tilespmem:$0x1C000] =	vst v63  }
0x31: {  	_ =	swait.ge [sflag:s17], $0x2000  }
0x32: {  	[sflag:s17] =	ssyncset.done $0x0  }
0x33: {  	[sflag:s17] =	ssyncadd.s32 $0xFFFFE000  }
0x34: {  	s0 =	simm.s32 $0x0;
	[bflag:$0x0] =	sbarrier.arrive $0xFFFF  }
0x35: {  	[tilespmem:s0], [sflag:$0x9] =	stream.linear.gather [hbm4b:s12+s0], $0x2800, $0x38;
	[tilespmem:$0x1C000] =	vst v63  }
0x36: {  	_ =	swait.ge [sflag:s17], $0x2800  }
0x37: {  	[sflag:s17] =	ssyncset.done $0x0  }
0x38: {  	[sflag:s17] =	ssyncadd.s32 $0xFFFFD800  }
0x39: {  	[tilespmem:s18], [sflag:$0x9] =	stream.linear.gather [hbm4b:s13+s0], $0x2800, $0x38;
	[tilespmem:$0x1C000] =	vst v63  }
0x3a: {  	_ =	swait.ge [sflag:s17], $0x2800  }
0x3b: {  	[sflag:s17] =	ssyncset.done $0x0  }
0x3c: {  	s6 =	simm.s32 $0x2800;
	[sflag:s17] =	ssyncadd.s32 $0xFFFFD800  }
0x3d: {  	[tilespmem:s6], [sflag:$0x9] =	stream.linear.gather [hbm4b:s14+s0], $0x2800, $0x38;
	[tilespmem:$0x1C000] =	vst v63  }
0x3e: {  	_ =	swait.ge [sflag:s17], $0x2800  }
0x3f: {  	[sflag:s17] =	ssyncset.done $0x0  }
0x40: {  	s19 =	simm.s32 $0x7800;
	[sflag:s17] =	ssyncadd.s32 $0xFFFFD800  }
0x41: {  	[tilespmem:s19], [sflag:$0x9] =	stream.linear.gather [hbm4b:s15+s0], $0x2800, $0x38;
	[tilespmem:$0x1C000] =	vst v63  }
0x42: {  	_ =	swait.ge [sflag:s17], $0x2800  }
0x43: {  	[sflag:s17] =	ssyncset.done $0x0  }
0x44: {  	[sflag:s17] =	ssyncadd.s32 $0xFFFFD800  }
0x45: {  	[tilespmem:s16], [sflag:$0x1] =	stream.indirect.gather [hbm4b:s4+s21], $0x40, s0, s21, $0xb8;
	[tilespmem:$0x1C000] =	vst v63  }
0x46: {  	_ = 	snop  }
0x47: {  	[tilespmem:s22], [sflag:$0x2] =	stream.indirect.gather [hbm4b:s4+s21], $0x40, s21, s21, $0xb8;
	[tilespmem:$0x1C000] =	vst v63  }
0x48: {  	s6 =	simm.s32 $0x100  }
0x49: {  	[tilespmem:s24], [sflag:$0x3] =	stream.indirect.gather [hbm4b:s4+s21], $0x40, s6, s21, $0xb8;
	[tilespmem:$0x1C000] =	vst v63  }
0x4a: {  	s19 =	simm.s32 $0x180  }
0x4b: {  	[tilespmem:s26], [sflag:$0x4] =	stream.indirect.gather [hbm4b:s4+s21], $0x40, s19, s21, $0xb8;
	[tilespmem:$0x1C000] =	vst v63  }
0x4c: {  	_ =	swait.ge [sflag:s28], $0x2000  }
0x4d: {  	[sflag:s28] =	ssyncset.done $0x0  }
0x4e: {  	[sflag:s28] =	ssyncadd.s32 $0xFFFFE000  }
0x4f: {  	[spmem:s2] =	stream.indirect.scatter.add.f32 [tilespmem:s16], [sflag:$0x5], $0x40, s18, s21, $0xb8;
	[tilespmem:$0x1C000] =	vst v63  }
0x50: {  	_ =	swait.ge [sflag:s29], $0x2000  }
0x51: {  	[sflag:s29] =	ssyncset.done $0x0  }
0x52: {  	s6 =	simm.s32 $0x5080;
	[sflag:s29] =	ssyncadd.s32 $0xFFFFE000  }
0x53: {  	[spmem:s2] =	stream.indirect.scatter.add.f32 [tilespmem:s22], [sflag:$0x6], $0x40, s6, s21, $0xb8;
	[tilespmem:$0x1C000] =	vst v63  }
0x54: {  	_ =	swait.ge [sflag:s31], $0x2000  }
0x55: {  	[sflag:s31] =	ssyncset.done $0x0  }
0x56: {  	s19 =	simm.s32 $0x5100;
	[sflag:s31] =	ssyncadd.s32 $0xFFFFE000  }
0x57: {  	[spmem:s2] =	stream.indirect.scatter.add.f32 [tilespmem:s24], [sflag:$0x7], $0x40, s19, s21, $0xb8;
	[tilespmem:$0x1C000] =	vst v63  }
0x58: {  	_ =	swait.ge [sflag:s1], $0x2000  }
0x59: {  	[sflag:s1] =	ssyncset.done $0x0  }
0x5a: {  	s6 =	simm.s32 $0x5180;
	[sflag:s1] =	ssyncadd.s32 $0xFFFFE000  }
0x5b: {  	[spmem:s2] =	stream.indirect.scatter.add.f32 [tilespmem:s26], [sflag:$0x8], $0x40, s6, s21, $0xb8;
	[tilespmem:$0x1C000] =	vst v63  }
0x5c: {  	_ =	swait.ge [sflag:s20], $0x2000  }
0x5d: {  	[sflag:s20] =	ssyncset.done $0x0  }
0x5e: {  	s19 =	simm.s32 $0x200;
	[sflag:s20] =	ssyncadd.s32 $0xFFFFE000  }
0x5f: {  	[tilespmem:s16], [sflag:$0x1] =	stream.indirect.gather [hbm4b:s4+s21], $0x40, s19, s21, $0xb8;
	[tilespmem:$0x1C000] =	vst v63  }
0x60: {  	_ =	swait.ge [sflag:s23], $0x2000  }
0x61: {  	[sflag:s23] =	ssyncset.done $0x0  }
0x62: {  	s6 =	simm.s32 $0x280;
	[sflag:s23] =	ssyncadd.s32 $0xFFFFE000  }
0x63: {  	[tilespmem:s22], [sflag:$0x2] =	stream.indirect.gather [hbm4b:s4+s21], $0x40, s6, s21, $0xb8;
	[tilespmem:$0x1C000] =	vst v63  }
0x64: {  	_ =	swait.ge [sflag:s25], $0x2000  }
0x65: {  	[sflag:s25] =	ssyncset.done $0x0  }
0x66: {  	s19 =	simm.s32 $0x300;
	[sflag:s25] =	ssyncadd.s32 $0xFFFFE000  }
0x67: {  	[tilespmem:s24], [sflag:$0x3] =	stream.indirect.gather [hbm4b:s4+s21], $0x40, s19, s21, $0xb8;
	[tilespmem:$0x1C000] =	vst v63  }
0x68: {  	_ =	swait.ge [sflag:s30], $0x2000  }
0x69: {  	[sflag:s30] =	ssyncset.done $0x0  }
0x6a: {  	s6 =	simm.s32 $0x380;
	[sflag:s30] =	ssyncadd.s32 $0xFFFFE000  }
0x6b: {  	[tilespmem:s26], [sflag:$0x4] =	stream.indirect.gather [hbm4b:s4+s21], $0x40, s6, s21, $0xb8;
	[tilespmem:$0x1C000] =	vst v63  }
0x6c: {  	_ =	swait.ge [sflag:s28], $0x2000  }
0x6d: {  	[sflag:s28] =	ssyncset.done $0x0  }
0x6e: {  	s19 =	simm.s32 $0x5200;
	[sflag:s28] =	ssyncadd.s32 $0xFFFFE000  }
0x6f: {  	[spmem:s2] =	stream.indirect.scatter.add.f32 [tilespmem:s16], [sflag:$0x5], $0x40, s19, s21, $0xb8;
	[tilespmem:$0x1C000] =	vst v63  }
0x70: {  	_ =	swait.ge [sflag:s29], $0x2000  }
0x71: {  	[sflag:s29] =	ssyncset.done $0x0  }
0x72: {  	s6 =	simm.s32 $0x5280;
	[sflag:s29] =	ssyncadd.s32 $0xFFFFE000  }
0x73: {  	[spmem:s2] =	stream.indirect.scatter.add.f32 [tilespmem:s22], [sflag:$0x6], $0x40, s6, s21, $0xb8;
	[tilespmem:$0x1C000] =	vst v63  }
0x74: {  	_ =	swait.ge [sflag:s31], $0x2000  }
0x75: {  	[sflag:s31] =	ssyncset.done $0x0  }
0x76: {  	s19 =	simm.s32 $0x5300;
	[sflag:s31] =	ssyncadd.s32 $0xFFFFE000  }
0x77: {  	[spmem:s2] =	stream.indirect.scatter.add.f32 [tilespmem:s24], [sflag:$0x7], $0x40, s19, s21, $0xb8;
	[tilespmem:$0x1C000] =	vst v63  }
0x78: {  	_ =	swait.ge [sflag:s1], $0x2000  }
0x79: {  	[sflag:s1] =	ssyncset.done $0x0  }
0x7a: {  	s0 =	simm.s32 $0x800;
	s19 =	simm.s32 $0x5380;
	[sflag:s1] =	ssyncadd.s32 $0xFFFFE000  }
.LBB2_4:
0x7b: {  	[spmem:s2] =	stream.indirect.scatter.add.f32 [tilespmem:s26], [sflag:$0x8], $0x40, s19, s21, $0xb8;
	[tilespmem:$0x1C000] =	vst v63  }
0x7c: {  	s6 =	smov.u32 s0  }
0x7d: {  	p0 =	sne.s32 s0, $0x13000;
	s0 =	sadd.s32 $0x800, s0;
	_ =	swait.ge [sflag:s20], $0x2000  }
0x7e: {  	s19 =	sshra.s32 s6, $0x2;
	[sflag:s20] =	ssyncset.done $0x0  }
0x7f: {  	s6 =	sadd.s32 $0x200, s19;
	[sflag:s20] =	ssyncadd.s32 $0xFFFFE000  }
0x80: {  	[tilespmem:s16], [sflag:$0x1] =	stream.indirect.gather [hbm4b:s4+s21], $0x40, s6, s21, $0xb8;
	[tilespmem:$0x1C000] =	vst v63  }
0x81: {  	_ =	swait.ge [sflag:s23], $0x2000  }
0x82: {  	[sflag:s23] =	ssyncset.done $0x0  }
0x83: {  	s6 =	sadd.s32 $0x280, s19;
	[sflag:s23] =	ssyncadd.s32 $0xFFFFE000  }
0x84: {  	[tilespmem:s22], [sflag:$0x2] =	stream.indirect.gather [hbm4b:s4+s21], $0x40, s6, s21, $0xb8;
	[tilespmem:$0x1C000] =	vst v63  }
0x85: {  	_ =	swait.ge [sflag:s25], $0x2000  }
0x86: {  	[sflag:s25] =	ssyncset.done $0x0  }
0x87: {  	s6 =	sadd.s32 $0x300, s19;
	[sflag:s25] =	ssyncadd.s32 $0xFFFFE000  }
0x88: {  	[tilespmem:s24], [sflag:$0x3] =	stream.indirect.gather [hbm4b:s4+s21], $0x40, s6, s21, $0xb8;
	[tilespmem:$0x1C000] =	vst v63  }
0x89: {  	_ =	swait.ge [sflag:s30], $0x2000  }
0x8a: {  	[sflag:s30] =	ssyncset.done $0x0  }
0x8b: {  	s6 =	sadd.s32 $0x380, s19;
	[sflag:s30] =	ssyncadd.s32 $0xFFFFE000  }
0x8c: {  	[tilespmem:s26], [sflag:$0x4] =	stream.indirect.gather [hbm4b:s4+s21], $0x40, s6, s21, $0xb8;
	[tilespmem:$0x1C000] =	vst v63  }
0x8d: {  	_ =	swait.ge [sflag:s28], $0x2000  }
0x8e: {  	[sflag:s28] =	ssyncset.done $0x0  }
0x8f: {  	s6 =	sadd.s32 $0x5200, s19;
	[sflag:s28] =	ssyncadd.s32 $0xFFFFE000  }
0x90: {  	[spmem:s2] =	stream.indirect.scatter.add.f32 [tilespmem:s16], [sflag:$0x5], $0x40, s6, s21, $0xb8;
	[tilespmem:$0x1C000] =	vst v63  }
0x91: {  	_ =	swait.ge [sflag:s29], $0x2000  }
0x92: {  	[sflag:s29] =	ssyncset.done $0x0  }
0x93: {  	s6 =	sadd.s32 $0x5280, s19;
	[sflag:s29] =	ssyncadd.s32 $0xFFFFE000  }
0x94: {  	[spmem:s2] =	stream.indirect.scatter.add.f32 [tilespmem:s22], [sflag:$0x6], $0x40, s6, s21, $0xb8;
	[tilespmem:$0x1C000] =	vst v63  }
0x95: {  	_ =	swait.ge [sflag:s31], $0x2000  }
0x96: {  	[sflag:s31] =	ssyncset.done $0x0  }
.Ltmp1:
0x97: {  	s6 =	sadd.s32 $0x5300, s19;
	[sflag:s31] =	ssyncadd.s32 $0xFFFFE000;
	(pc) =	sbr.rel @p0 .LBB2_4-.Ltmp1, $4  }
0x98: {  	[spmem:s2] =	stream.indirect.scatter.add.f32 [tilespmem:s24], [sflag:$0x7], $0x40, s6, s21, $0xb8;
	[tilespmem:$0x1C000] =	vst v63  }
0x99: {  	_ =	swait.ge [sflag:s1], $0x2000  }
0x9a: {  	[sflag:s1] =	ssyncset.done $0x0  }
0x9b: {  	s19 =	sadd.s32 $0x5380, s19;
	[sflag:s1] =	ssyncadd.s32 $0xFFFFE000  }
0x9c: {  	[spmem:s2] =	stream.indirect.scatter.add.f32 [tilespmem:s26], [sflag:$0x8], $0x40, s19, s21, $0xb8;
	[tilespmem:$0x1C000] =	vst v63  }
0x9d: {  	_ =	swait.ge [sflag:s20], $0x2000  }
0x9e: {  	[sflag:s20] =	ssyncset.done $0x0  }
0x9f: {  	[sflag:s20] =	ssyncadd.s32 $0xFFFFE000  }
0xa0: {  	_ =	swait.ge [sflag:s23], $0x2000  }
0xa1: {  	[sflag:s23] =	ssyncset.done $0x0  }
0xa2: {  	[sflag:s23] =	ssyncadd.s32 $0xFFFFE000  }
0xa3: {  	_ =	swait.ge [sflag:s25], $0x2000  }
0xa4: {  	[sflag:s25] =	ssyncset.done $0x0  }
0xa5: {  	[sflag:s25] =	ssyncadd.s32 $0xFFFFE000  }
0xa6: {  	_ =	swait.ge [sflag:s30], $0x2000  }
0xa7: {  	s0 =	stileid.u32;
	[sflag:s30] =	ssyncset.done $0x0  }
0xa8: {  	s6 =	sshrl.u32 s5, $0x3;
	s3 =	sadd.s32 $0x1, s3;
	[sflag:s30] =	ssyncadd.s32 $0xFFFFE000  }
0xa9: {  	s0 =	sshll.u32 s0, $0x6;
	p0 =	sne.s32 s3, s7;
	[bflag:$0x0] =	sbarrier.arrive $0xFFFF  }
.Ltmp2:
0xaa: {  	s0 =	sor.u32 $0x1C09, s0;
	s19 =	rddreg [dreg:$0x4];
	(pc) =	sbr.rel @p0 .LBB2_1-.Ltmp2, $4  }
0xab: {  	[hbm:s19], [sflag:s0] =	dma.local [spmem:s6], $0x1400  }
0xac: {  	_ =	swait.ge [sflag:s17], $0x1400  }
0xad: {  	[sflag:s17] =	ssyncset.done $0x0  }
0xae: {  	[sflag:s17] =	ssyncadd.s32 $0xFFFFEC00  }
0xaf: {  	_ =	sfence.sel $0x180000  }
0xb0: {  	[bflag:$0x0] =	sbarrier.arrive $0xFFFF  }
0xb1: {  	_ =	strace $0x9000004D  }
0xb2: {  	s0 =	stileid.u32;
	[bflag:$0x2] =	sbarrier.arrive $0xFFFF  }
0xb3: {  	p0 =	sne.s32 s0, $0x0;
	s0 =	rddreg [dreg:$0x3]  }
0xb4: {  	s0 =	sadd.s32 @!p0 $0x100000, s0  }
0xb5: {  	[sflag:s0] =	ssyncadd.tile.s32 @!p0 $0x1;
	_ =	shalt  }
.Lfunc_end2:
_tile_overlayer_lowered:
.L_overlay_start_2:
0xb6: {  	(tag) =	ssettag $0x2  }
0xb7: {  	s0 =	rddreg [dreg:$0x0];
	s2 =	stileid.u32  }
0xb8: {  	s1 =	rddreg [dreg:$0x1];
	p0 =	sne.s32 s2, $0x0  }
0xb9: {  	s3 =	rddreg [dreg:$0x2];
	[bflag:$0x3] =	sbarrier.arrive $0xFFFF;
	s2 =	simm.s32 @!p0 $0x1C09  }
0xba: {  	[timem:s3], [sflag:s2] =	dma.local @!p0 [hbm:s0], s1  }
0xbb: {  	s0 =	simm.s32 @!p0 $0x9  }
0xbc: {  	_ =	swait.ge @!p0 [sflag:s0], s1  }
0xbd: {  	s1 =	ssub.s32 @!p0 $0x0, s1;
	[sflag:s0] =	ssyncset.done @!p0 $0x0  }
0xbe: {  	[sflag:s0] =	ssyncadd.s32 @!p0 s1  }
0xbf: {  	[bflag:$0x3] =	sbarrier.arrive $0xFFFF  }
0xc0: {  	_ =	shalt  }

// kernel: kernel.8.cloned.1.call-start
scs
__scs_entry_jumppad:
0x0: {  	(pc) =	sbr.rel $0x88, $3  }
0x1: {  	(tag) =	ssettag $0x0;
	lr =	simm.s32 $0x1  }
0x2: {  	[smem:$0x3F97] =	sst lr;
	_ =	strace $0xD0000000  }
0x3: {  	_ = 	snop  }
0x4: {  	_ = 	snop  }
0x5: {  	_ = 	snop  }
0x6: {  	_ = 	snop  }
0x7: {  	_ = 	snop  }
__scs_overlays_trampoline_lowered:
0x8: {  	[smem:$0x3FA6] =	sst s0  }
0x9: {  	[smem:$0x3FA7] =	sst s1  }
0xa: {  	[smem:$0x3FA8] =	sst s2  }
0xb: {  	[smem:$0x3FA9] =	sst s3  }
0xc: {  	[smem:$0x3FAA] =	sst s4  }
0xd: {  	[smem:$0x3FAB] =	sst s5  }
0xe: {  	[smem:$0x3FAC] =	sst s6  }
0xf: {  	[smem:$0x3FAD] =	sst s7  }
0x10: {  	[smem:$0x3FAE] =	sst s8  }
0x11: {  	[smem:$0x3FAF] =	sst s9;
	s0 =	simm.s32 @!p0 $0x0  }
0x12: {  	s1 =	sld [smem:$0x3F95];
	s0 =	simm.s32 @p0 $0x1  }
0x13: {  	[smem:$0x3FB0] =	sst s0;
	s0 =	simm.s32 @!p1 $0x0  }
0x14: {  	s2 =	sld [smem:$0x3F94];
	s0 =	simm.s32 @p1 $0x1  }
0x15: {  	[smem:$0x3FB1] =	sst s0;
	s0 =	simm.s32 @!p2 $0x0  }
0x16: {  	s3 =	sld [smem:$0x3FDB];
	s0 =	simm.s32 @p2 $0x1  }
0x17: {  	s4 =	simm.s32 $0x1BF5;
	[smem:$0x3FB3] =	sst s0  }
0x18: {  	s0 =	sld [smem:$0x3F96];
	_ =	swait.ge [sflag:s4], $0x0  }
0x19: {  	s7 =	sld [smem:$0x3F97]  }
0x1a: {  	s8 =	sadd.s32 $0xFFFFE003, lr  }
0x1b: {  	s9 =	sadd.s32 $0xFFFFFEF7, lr;
	s5 =	simm.s32 $0xFFFFFFFF;
	p2 =	slt.u32 s8, $0xFFFFF086  }
0x1c: {  	p1 =	slt.u32 s9, $0xF7A;
	s5 =	simm.s32 @!p2 $0x0  }
0x1d: {  	s5 =	simm.s32 @p1 $0x1;
	p0 =	seq.s32 s7, s2  }
0x1e: {  	s7 =	smul.u32 @!p0 $0xF7A, s2;
	p2 =	seq.s32 @!p0 s5, $0x0  }
0x1f: {  	s9 =	smul.u32 $0xF7A, s1;
	s8 =	simm.s32 @!p0 $0x1BF5;
	p2 =	por !p2, p0  }
0x20: {  	[sflag:s8] =	ssyncset.s32 @!p0 $0xFFFFF086;
	s6 =	sadd.s32 @!p0 s3, s7;
	s7 =	simm.s32 @!p0 $0x108  }
0x21: {  	s3 =	sadd.s32 s3, s9;
	s6 =	sadd.s32 @!p0 $0x88, s6;
	s7 =	simm.s32 @p2 $0x1082  }
0x22: {  	[simem:s7], [sflag:s8] =	dma.local @!p0 [hbm:s6], $0xF7A  }
0x23: {  	s9 =	sor.u32 $0xD0000000, s2;
	s6 =	simm.s32 $0x108;
	_ =	swait.ge @!p0 [sflag:s8], $0x0  }
0x24: {  	s3 =	sadd.s32 $0x88, s3;
	s6 =	simm.s32 @!p1 $0x1082;
	[sflag:s4] =	ssyncset.s32 $0xFFFFF086  }
0x25: {  	[simem:s6], [sflag:s4] =	dma.local [hbm:s3], $0xF7A  }
0x26: {  	[smem:$0x3F97] =	sst s1;
	(tag) =	ssettag s2;
	_ =	strace s9  }
0x27: {  	s1 =	sld [smem:$0x3FA7]  }
0x28: {  	s2 =	sld [smem:$0x3FA8]  }
0x29: {  	s4 =	sld [smem:$0x3FAA]  }
0x2a: {  	p0 =	seq.s32 s5, $0x0;
	s5 =	sld [smem:$0x3FAB]  }
0x2b: {  	s6 =	sld [smem:$0x3FAC]  }
0x2c: {  	s7 =	sld [smem:$0x3FAD]  }
0x2d: {  	s3 =	simm.s32 $0x108;
	s8 =	sld [smem:$0x3FAE]  }
0x2e: {  	s3 =	simm.s32 @!p0 $0x1082;
	s9 =	sld [smem:$0x3FAF]  }
0x2f: {  	lr =	sadd.s32 s0, s3;
	s0 =	sld [smem:$0x3FA6]  }
0x30: {  	s3 =	sld [smem:$0x3FA9]  }
0x31: {  	[smem:$0x3FB2] =	sst s10  }
0x32: {  	s10 =	sld [smem:$0x3FB0];
	_ =	sdelay $0x3  }
0x33: {  	p0 =	seq.s32 s10, $0x1;
	s10 =	sld [smem:$0x3FB2];
	_ =	sdelay $0x3  }
0x34: {  	[smem:$0x3FB2] =	sst s10  }
0x35: {  	s10 =	sld [smem:$0x3FB1];
	_ =	sdelay $0x3  }
0x36: {  	p1 =	seq.s32 s10, $0x1;
	s10 =	sld [smem:$0x3FB2];
	_ =	sdelay $0x3  }
0x37: {  	[smem:$0x3FB2] =	sst s10  }
0x38: {  	s10 =	sld [smem:$0x3FB3]  }
0x39: {  	_ = 	snop;
	(pc) =	sbr.ind lr, $3  }
0x3a: {  	_ = 	snop  }
0x3b: {  	_ = 	snop  }
0x3c: {  	p2 =	seq.s32 s10, $0x1;
	s10 =	sld [smem:$0x3FB2]  }
0x3d: {  	_ =	shalt  }
0x3e: {  	_ =	shalt  }
0x3f: {  	_ =	shalt  }
0x40: {  	_ =	shalt  }
0x41: {  	_ =	shalt  }
0x42: {  	_ =	shalt  }
0x43: {  	_ =	shalt  }
0x44: {  	_ =	shalt  }
0x45: {  	_ =	shalt  }
0x46: {  	_ =	shalt  }
0x47: {  	_ =	shalt  }
0x48: {  	_ =	shalt  }
0x49: {  	_ =	shalt  }
0x4a: {  	_ =	shalt  }
0x4b: {  	_ =	shalt  }
0x4c: {  	_ =	shalt  }
0x4d: {  	_ =	shalt  }
0x4e: {  	_ =	shalt  }
0x4f: {  	_ =	shalt  }
0x50: {  	_ =	shalt  }
0x51: {  	_ =	shalt  }
0x52: {  	_ =	shalt  }
0x53: {  	_ =	shalt  }
0x54: {  	_ =	shalt  }
0x55: {  	_ =	shalt  }
0x56: {  	_ =	shalt  }
0x57: {  	_ =	shalt  }
0x58: {  	_ =	shalt  }
0x59: {  	_ =	shalt  }
0x5a: {  	_ =	shalt  }
0x5b: {  	_ =	shalt  }
0x5c: {  	_ =	shalt  }
0x5d: {  	_ =	shalt  }
0x5e: {  	_ =	shalt  }
0x5f: {  	_ =	shalt  }
0x60: {  	_ =	shalt  }
0x61: {  	_ =	shalt  }
0x62: {  	_ =	shalt  }
0x63: {  	_ =	shalt  }
0x64: {  	_ =	shalt  }
0x65: {  	_ =	shalt  }
0x66: {  	_ =	shalt  }
0x67: {  	_ =	shalt  }
0x68: {  	_ =	shalt  }
0x69: {  	_ =	shalt  }
0x6a: {  	_ =	shalt  }
0x6b: {  	_ =	shalt  }
0x6c: {  	_ =	shalt  }
0x6d: {  	_ =	shalt  }
0x6e: {  	_ =	shalt  }
0x6f: {  	_ =	shalt  }
0x70: {  	_ =	shalt  }
0x71: {  	_ =	shalt  }
0x72: {  	_ =	shalt  }
0x73: {  	_ =	shalt  }
0x74: {  	_ =	shalt  }
0x75: {  	_ =	shalt  }
0x76: {  	_ =	shalt  }
0x77: {  	_ =	shalt  }
0x78: {  	_ =	shalt  }
0x79: {  	_ =	shalt  }
0x7a: {  	_ =	shalt  }
0x7b: {  	_ =	shalt  }
0x7c: {  	_ =	shalt  }
0x7d: {  	_ =	shalt  }
0x7e: {  	_ =	shalt  }
0x7f: {  	_ =	shalt  }
0x80: {  	_ =	shalt  }
0x81: {  	_ =	shalt  }
0x82: {  	_ =	shalt  }
0x83: {  	_ =	shalt  }
0x84: {  	_ =	shalt  }
0x85: {  	_ =	shalt  }
0x86: {  	_ =	shalt  }
0x87: {  	_ =	shalt  }
.Lfunc_end0:
.L_simem_size_0:
called_computation_lowered:
.L_overlay_start_0:
0x88: {  	s2 =	sld [smem:$0x3FD9]  }
0x89: {  	s3 =	sld [smem:$0x3FFE];
	_ =	sdelay $0x1  }
0x8a: {  	s1 =	srdreg.scid  }
0x8b: {  	s0 =	sand.u32 $0x1, s1  }
0x8c: {  	s17 =	sshll.u32 s0, $0xA;
	s2 =	sadd.s32 s3, s2  }
0x8d: {  	s2 =	sadd.s32 s2, s17  }
0x8e: {  	[smem:$0x3FBE] =	sst s2  }
0x8f: {  	_ = 	snop  }
0x90: {  	(tm) =	ssettm $0x1  }
0x91: {  	s18 =	sld [smem:$0x3FFB];
	_ =	sdelay $0x3  }
0x92: {  	_ =	strace s18  }
0x93: {  	s2 =	sld [smem:$0x3FFC];
	_ =	sdelay $0x3  }
0x94: {  	_ =	strace s2  }
0x95: {  	s2 =	sld [smem:$0x3FFD];
	_ =	sdelay $0x3  }
0x96: {  	_ =	strace s2  }
0x97: {  	_ =	strace $0x8FFFFFFF  }
0x98: {  	s19 =	sld [smem:$0x3FDB];
	_ =	sdelay $0x1  }
0x99: {  	s20 =	simm.s32 $_scs_section_size  }
0x9a: {  	s4 =	simm.s32 $_size__tile_overlayer_lowered;
	s5 =	simm.s32 $_tile_overlayer_lowered  }
0x9b: {  	s6 =	simm.s32 $0x1BFF;
	s21 =	sshll.u32 s5, $0x1;
	s3 =	sadd.s32 s20, s19  }
0x9c: {  	s22 =	simm.s32 $0x0;
	s4 =	sshll.u32 s4, $0x1;
	s5 =	sadd.s32 s21, s3  }
0x9d: {  	[timem:s22], [sflag:s6] =	dma.local [hbm:s5], s4  }
0x9e: {  	_ =	swait.ge [sflag:s6], s4  }
0x9f: {  	s4 =	ssub.s32 $0x0, s4;
	[sflag:s6] =	ssyncset.done $0x0  }
0xa0: {  	[sflag:s6] =	ssyncadd.s32 s4;
	_ =	sdelay $0x1  }
0xa1: {  	s23 =	simm.s32 $0x1B8B  }
0xa2: {  	_ =	swait.ge [sflag:s23], $0x1  }
0xa3: {  	[sflag:s23] =	ssyncset.done $0x0  }
0xa4: {  	[sflag:s23] =	ssyncadd.s32 $0xFFFFFFFF  }
0xa5: {  	s4 =	sld [smem:$0x0]  }
0xa6: {  	s5 =	sand.u32 $0xFFFFFFFE, s1  }
0xa7: {  	p0 =	sne.s32 s1, s5  }
0xa8: {  	s5 =	sshll.u32 @p0 s5, $0xE  }
0xa9: {  	s5 =	sadd.s32 @p0 $0x11B8D, s5;
	s6 =	sshll.u32 @p0 s4, $0x11  }
0xaa: {  	s5 =	sor.u32 @p0 s6, s5  }
0xab: {  	[sflag:s5] =	ssyncadd.remote.s32 @p0 $0x1;
	_ =	sdelay $0x1  }
0xac: {  	s5 =	simm.s32 @p0 $0x1B8D  }
0xad: {  	_ =	swait.eq @p0 [sflag:s5], $0x1  }
0xae: {  	[sflag:s5] =	ssyncadd.s32 @p0 $0xFFFFFFFF  }
0xaf: {  	s6 =	sshll.u32 @!p0 s1, $0xE  }
0xb0: {  	s6 =	sor.u32 @!p0 $0x4000, s6;
	s5 =	simm.s32 @!p0 $0x1B8D  }
0xb1: {  	s4 =	sshll.u32 @!p0 s4, $0x11;
	s6 =	sadd.s32 @!p0 $0x11B8D, s6;
	_ =	swait.eq @!p0 [sflag:s5], $0x1  }
0xb2: {  	s4 =	sor.u32 @!p0 s4, s6;
	[sflag:s5] =	ssyncadd.s32 @!p0 $0xFFFFFFFF  }
0xb3: {  	s25 =	simm.s32 $0x1B8E;
	s24 =	sld [smem:$0x3FFE];
	[sflag:s4] =	ssyncadd.remote.s32 @!p0 $0x1  }
0xb4: {  	s26 =	simm.s32 $execute0_lowered;
	[smem:$0x3FD2] =	sst s25  }
0xb5: {  	s5 =	sshll.u32 s26, $0x1;
	_ =	strace $0x80000049;
	[dreg:$0x1] =	wrdreg $0xFFFFFFFF  }
0xb6: {  	s28 =	simm.s32 $_size_execute0_lowered;
	s3 =	sadd.s32 s3, s5;
	[dreg:$0x0] =	wrdreg $0x0  }
0xb7: {  	s5 =	sshll.u32 s28, $0x1;
	[dreg:$0x2] =	wrdreg s3  }
0xb8: {  	[dreg:$0x3] =	wrdreg s5  }
0xb9: {  	[dreg:$0x4] =	wrdreg $0xC0  }
0xba: {  	_ =	task [dreg:s22], $0x5FFFF  }
0xbb: {  	[dreg:$0x1] =	wrdreg $0xFFFFFFFF  }
0xbc: {  	[dreg:$0x0] =	wrdreg $0x60  }
0xbd: {  	[dreg:$0x2] =	wrdreg s24  }
0xbe: {  	[dreg:$0x3] =	wrdreg $0x50500  }
0xbf: {  	[dreg:$0x4] =	wrdreg $0x9  }
0xc0: {  	_ =	task.clear_ibuf [dreg:s22], $0x5FFFF;
	_ =	strace $0x90000049  }
0xc1: {  	s29 =	simm.s32 $0x9;
	_ =	strace $0x8000004B  }
0xc2: {  	_ =	swait.ge [sflag:s29], $0x1  }
0xc3: {  	[sflag:s29] =	ssyncadd.s32 $0xFFFFFFFF  }
0xc4: {  	_ =	strace $0x9000004B  }
0xc5: {  	_ =	sfence  }
0xc6: {  	s30 =	sld [smem:$0x0];
	_ =	sdelay $0x2  }
0xc7: {  	s31 =	sshll.u32 s1, $0xD;
	s1 =	sshrl.u32 s1, $0x2  }
0xc8: {  	s4 =	sand.u32 $0x4000, s31;
	s1 =	sadd.s32 s1, s30  }
0xc9: {  	s0 =	sor.u32 s4, s0;
	s1 =	sshll.u32 s1, $0x11  }
0xca: {  	s0 =	sor.u32 s1, s0  }
0xcb: {  	s0 =	sadd.s32 $0x8F2B, s0  }
0xcc: {  	[sflag:s0] =	ssyncadd.remote.s32 $0x1  }
0xcd: {  	_ =	sfence.sel $0xFFFF  }
0xce: {  	[dreg:$0x0] =	wrdreg $0xFFFFFFFF;
	(pc) =	sbr.abs _section_cstart, $3  }
0xcf: {  	[dreg:$0x1] =	wrdreg $0xFFFFFFFF  }
0xd0: {  	_ =	task.clear_ibuf [dreg:s22], $0x2FFFF;
	_ =	strace $0x9FFFFFFF  }
0xd1: {  	(tm) =	ssettm $0x7FFFFFFF  }
tec
execute0_lowered:
.L_overlay_start_1:
0x0: {  	(tag) =	ssettag $0x1  }
0x1: {  	s0 =	srdreg.scid  }
0x2: {  	s4 =	rddreg [dreg:$0x0];
	s6 =	stileid.u32  }
0x3: {  	s1 =	rddreg [dreg:$0x1];
	s2 =	simm.s32 $0x0;
	s9 =	simm.s32 $0x5000  }
0x4: {  	s3 =	sand.u32 $0x1, s0;
	[smem:$0x7FF] =	sst s2;
	p0 =	sne.s32 s6, $0x0  }
0x5: {  	s0 =	sshll.u32 s3, $0x4;
	s7 =	smul.u32 $0x500, s3;
	s3 =	ssub.s32 $0x2, s3  }
0x6: {  	s10 =	sshrl.u32 @!p0 s1, $0x3;
	s5 =	sor.u32 s6, s0;
	s0 =	rddreg [dreg:$0x2]  }
0x7: {  	_ =	strace $0x8000004A;
	s8 =	sshrl.u32 s3, $0x1;
	s5 =	smul.u32 $0x500, s5  }
0x8: {  	v0 =	vlaneseq.u32;
	s6 =	simm.s32 $0x1;
	s31 =	ssub.s32 s3, s8;
	s8 =	simm.s32 $0x50  }
0x9: {  	v1 =	vimm.f32 $0.0e+00;
	v6 =	vimm.f32 $1.000000000e+00;
	v2 =	vor.u32 $0x10, v0;
	s5 =	sadd.s32 s5, s4;
	s4 =	sadd.s32 s7, s4;
	s7 =	simm.s32 $0x2800  }
0xa: {  	v3 =	vor.u32 $0x20, v0;
	v4 =	vor.u32 $0x30, v0;
	v5 =	vor.u32 $0x40, v0;
	s3 =	sadd.s32 $0x2000, s5;
	s4 =	sadd.s32 $0x5C000, s4;
	s5 =	smax.u32 s31, $0x1  }
.LBB2_1:
0xb: {  	s11 =	simm.s32 $0x70;
	s12 =	simm.s32 $0x3C0  }
.LBB2_2:
0xc: {  	p1 =	sne.s32 s12, $0x9FC0;
	[tilespmem:s11+$0x2800] =	vst v1  }
0xd: {  	[tilespmem:s11+$0x2790] =	vst v1  }
0xe: {  	[tilespmem:s11+$0x27A0] =	vst v1  }
.Ltmp0:
0xf: {  	[tilespmem:s11+$0x27B0] =	vst v1;
	(pc) =	sbr.rel @p1 .LBB2_2-.Ltmp0, $4  }
0x10: {  	[tilespmem:s11+$0x27C0] =	vst v1  }
0x11: {  	[tilespmem:s11+$0x27D0] =	vst v1  }
0x12: {  	[tilespmem:s11+$0x27E0] =	vst v1  }
0x13: {  	[tilespmem:s11+$0x27F0] =	vst v1;
	s11 =	sshra.s32 s12, $0x2;
	s12 =	sadd.s32 $0x200, s12  }
0x14: {  	[tilespmem:s11+$0x2800] =	vst v1  }
0x15: {  	[tilespmem:s11+$0x2790] =	vst v1  }
0x16: {  	[tilespmem:s11+$0x27A0] =	vst v1  }
0x17: {  	[tilespmem:s11+$0x27B0] =	vst v1  }
0x18: {  	[tilespmem:s11+$0x27C0] =	vst v1  }
0x19: {  	[tilespmem:s11+$0x27D0] =	vst v1  }
0x1a: {  	[tilespmem:s11+$0x27E0] =	vst v1  }
0x1b: {  	[tilespmem:s11+$0x27F0] =	vst v1;
	s11 =	simm.s32 @!p0 $0x2800  }
0x1c: {  	[spmem:s1] =	stream.linear.scatter @!p0 [tilespmem:s11], [sflag:$0x1], $0x2800, $0x38;
	[tilespmem:$0x52D0] =	vst v63  }
0x1d: {  	s11 =	simm.s32 @!p0 $0x1  }
0x1e: {  	_ =	swait.ge @!p0 [sflag:s11], $0x2800  }
0x1f: {  	[sflag:s11] =	ssyncset.done @!p0 $0x0  }
0x20: {  	[sflag:s11] =	ssyncadd.s32 @!p0 $0xFFFFD800  }
0x21: {  	[tilespmem:$0x5000] =	vst v0  }
0x22: {  	[tilespmem:$0x5010] =	vst v2  }
0x23: {  	[tilespmem:$0x5020] =	vst v3  }
0x24: {  	[tilespmem:$0x5030] =	vst v4  }
0x25: {  	[tilespmem:$0x5040] =	vst v5  }
0x26: {  	s11 =	simm.s32 $0x0;
	[bflag:$0x0] =	sbarrier.arrive $0xFFFF  }
0x27: {  	[tilespmem:s11], [sflag:$0x1] =	stream.linear.gather [hbm4b:s3+s11], $0x2800, $0x38;
	[tilespmem:$0x52D0] =	vst v63  }
0x28: {  	_ =	swait.ge [sflag:s6], $0x2800  }
0x29: {  	[sflag:s6] =	ssyncset.done $0x0  }
0x2a: {  	[sflag:s6] =	ssyncadd.s32 $0xFFFFD800  }
.LBB2_4:
0x2b: {  	s12 =	sshra.s32 s11, $0x2  }
0x2c: {  	v7 =	vld [tilespmem:s12+$0x0];
	_ =	sdelay $0x7  }
0x2d: {  	[tilespmem:v7+s7+$0x0] =	vst.idx.add.f32.msk $0xffff, v6  }
0x2e: {  	v7 =	vld [tilespmem:s12+$0x10];
	_ =	sdelay $0x7  }
0x2f: {  	[tilespmem:v7+s7+$0x0] =	vst.idx.add.f32.msk $0xffff, v6  }
0x30: {  	v7 =	vld [tilespmem:s12+$0x20];
	_ =	sdelay $0x7  }
0x31: {  	[tilespmem:v7+s7+$0x0] =	vst.idx.add.f32.msk $0xffff, v6  }
0x32: {  	v7 =	vld [tilespmem:s12+$0x30];
	_ =	sdelay $0x7  }
0x33: {  	[tilespmem:v7+s7+$0x0] =	vst.idx.add.f32.msk $0xffff, v6  }
0x34: {  	v7 =	vld [tilespmem:s12+$0x40];
	_ =	sdelay $0x7  }
0x35: {  	[tilespmem:v7+s7+$0x0] =	vst.idx.add.f32.msk $0xffff, v6  }
0x36: {  	v7 =	vld [tilespmem:s12+$0x50];
	_ =	sdelay $0x7  }
0x37: {  	[tilespmem:v7+s7+$0x0] =	vst.idx.add.f32.msk $0xffff, v6  }
0x38: {  	v7 =	vld [tilespmem:s12+$0x60];
	_ =	sdelay $0x7  }
0x39: {  	[tilespmem:v7+s7+$0x0] =	vst.idx.add.f32.msk $0xffff, v6  }
0x3a: {  	v7 =	vld [tilespmem:s12+$0x70];
	_ =	sdelay $0x2  }
0x3b: {  	p1 =	sne.s32 s11, $0x9E00  }
.Ltmp1:
0x3c: {  	_ = 	snop;
	(pc) =	sbr.rel @p1 .LBB2_4-.Ltmp1, $2  }
0x3d: {  	_ =	sdelay $0x2  }
0x3e: {  	s11 =	sadd.s32 $0x200, s11;
	[tilespmem:v7+s7+$0x0] =	vst.idx.add.f32.msk $0xffff, v6  }
0x3f: {  	[spmem:s1] =	stream.indirect.scatter.add.f32 [tilespmem:s7], [sflag:$0x1], $0x80, s9, s8, $0xb8;
	[tilespmem:$0x52D0] =	vst v63  }
0x40: {  	_ =	swait.ge [sflag:s6], $0x2800  }
0x41: {  	[sflag:s6] =	ssyncset.done $0x0  }
0x42: {  	s2 =	sadd.s32 $0x1, s2;
	[sflag:s6] =	ssyncadd.s32 $0xFFFFD800  }
0x43: {  	s11 =	simm.s32 @!p0 $0x1C01;
	p1 =	sne.s32 s2, s5;
	[bflag:$0x0] =	sbarrier.arrive $0xFFFF  }
0x44: {  	[hbm:s4], [sflag:s11] =	dma.local @!p0 [spmem:s10], $0x500  }
.Ltmp2:
0x45: {  	_ = 	snop;
	(pc) =	sbr.rel @p1 .LBB2_1-.Ltmp2, $4  }
0x46: {  	s11 =	simm.s32 @!p0 $0x1  }
0x47: {  	_ =	swait.ge @!p0 [sflag:s11], $0x500  }
0x48: {  	[sflag:s11] =	ssyncset.done @!p0 $0x0  }
0x49: {  	[sflag:s11] =	ssyncadd.s32 @!p0 $0xFFFFFB00  }
0x4a: {  	_ =	sfence.sel $0x180000  }
0x4b: {  	[bflag:$0x0] =	sbarrier.arrive $0xFFFF  }
0x4c: {  	_ =	strace $0x9000004A  }
0x4d: {  	s0 =	sadd.s32 @!p0 $0x100000, s0;
	[bflag:$0x2] =	sbarrier.arrive $0xFFFF  }
0x4e: {  	[sflag:s0] =	ssyncadd.tile.s32 @!p0 $0x1;
	_ =	shalt  }
.Lfunc_end2:
_tile_overlayer_lowered:
.L_overlay_start_2:
0x4f: {  	(tag) =	ssettag $0x2  }
0x50: {  	s0 =	rddreg [dreg:$0x0];
	s2 =	stileid.u32  }
0x51: {  	s1 =	rddreg [dreg:$0x1];
	p0 =	sne.s32 s2, $0x0  }
0x52: {  	s3 =	rddreg [dreg:$0x2];
	[bflag:$0x3] =	sbarrier.arrive $0xFFFF;
	s2 =	simm.s32 @!p0 $0x1C01  }
0x53: {  	[timem:s3], [sflag:s2] =	dma.local @!p0 [hbm:s0], s1  }
0x54: {  	s0 =	simm.s32 @!p0 $0x1  }
0x55: {  	_ =	swait.ge @!p0 [sflag:s0], s1  }
0x56: {  	s1 =	ssub.s32 @!p0 $0x0, s1;
	[sflag:s0] =	ssyncset.done @!p0 $0x0  }
0x57: {  	[sflag:s0] =	ssyncadd.s32 @!p0 s1  }
0x58: {  	[bflag:$0x3] =	sbarrier.arrive $0xFFFF  }
0x59: {  	_ =	shalt  }

</sc_bundles>
